<compile_context>
chip_gen: v7x
topology: tpu7x:2x2x1
jax: 0.10.2.dev20260603
libtpu: 0.0.44.dev20260713+nightly
codegen_flags: <defaults>
</compile_context>

<pallas_src>
import functools

import jax
import jax.numpy as jnp
from jax import lax
from jax.experimental import pallas as pl
from jax.experimental.pallas import tpu as pltpu
from jax.experimental.pallas import tpu_sc as plsc

TOTAL = 16384
D_MODEL = 2048
NUM_CHUNKS = 64
CHUNK = TOTAL // NUM_CHUNKS
NSEL = 8
OUT_ROWS = NSEL * CHUNK
NC, NS, L = 2, 16, 16
NW = NC * NS
ROWS_PER_W = OUT_ROWS // NW
STAGE = 16
NSTAGES = ROWS_PER_W // STAGE
NBUF = 3
NVEC = ROWS_PER_W // L


def _cumsum8(vec, iota):
    acc = jnp.zeros((L,), jnp.int32)
    for s in range(NSEL):
        acc = acc + jnp.where(iota >= s, vec[s], 0)
    return acc


def _body(x_hbm, meta_hbm, out_hbm,
          meta_v, starts_v, adj_v, bufs, sems_in, sems_out):
    wid = lax.axis_index("s") * NC + lax.axis_index("c")
    base = wid * ROWS_PER_W
    iota = lax.iota(jnp.int32, L)

    pltpu.sync_copy(meta_hbm, meta_v)
    seql = meta_v[pl.ds(0, L)]
    perm = jnp.where(iota < NSEL, meta_v[pl.ds(NSEL, L)], 0)
    starts = _cumsum8(seql, iota) - seql
    starts_v[...] = starts
    slp = plsc.load_gather(meta_v, [perm])
    ends = _cumsum8(slp, iota)
    adj_v[...] = plsc.load_gather(starts_v, [perm]) - (ends - slp)

    firsts = []
    for v in range(NVEC):
        t_out = base + (v * L) + iota
        c = lax.shift_right_logical(t_out, 8)
        within = jnp.bitwise_and(t_out, CHUNK - 1)
        selc = plsc.load_gather(meta_v, [c + 2 * NSEL])
        t = lax.shift_left(selc, 8) + within
        j = jnp.zeros((L,), jnp.int32)
        for s in range(NSEL):
            j += jnp.where(t >= ends[s], 1, 0).astype(jnp.int32)
        src = t + plsc.load_gather(adj_v, [j])
        for k in range(L // STAGE):
            firsts.append(pl.multiple_of(src[k * STAGE], STAGE))

    cp_in = [None] * NSTAGES
    cp_out = [None] * NSTAGES
    for s in range(min(NBUF, NSTAGES)):
        cp_in[s] = pltpu.async_copy(
            x_hbm.at[pl.ds(firsts[s], STAGE)], bufs[s], sems_in[s])
    out_waited = [False] * NSTAGES
    for s in range(NSTAGES):
        b = s % NBUF
        cp_in[s].wait()
        cp_out[s] = pltpu.async_copy(
            bufs[b], out_hbm.at[pl.ds(base + s * STAGE, STAGE)], sems_out[b])
        nxt = s + NBUF
        if nxt < NSTAGES:
            cp_out[s].wait()
            out_waited[s] = True
            cp_in[nxt] = pltpu.async_copy(
                x_hbm.at[pl.ds(firsts[nxt], STAGE)], bufs[b], sems_in[b])
    for s in range(NSTAGES):
        if not out_waited[s]:
            cp_out[s].wait()


def _flat_body(x_hbm, meta_hbm, out_hbm,
               meta_v, starts_v, adj_v, *rest):
    bufs = rest[:NBUF]
    sems_in = rest[NBUF:2 * NBUF]
    sems_out = rest[2 * NBUF:]
    _body(x_hbm, meta_hbm, out_hbm,
          meta_v, starts_v, adj_v, bufs, sems_in, sems_out)


@jax.jit
def _dispatch(x_global, meta):
    mesh = plsc.VectorSubcoreMesh(core_axis_name="c", subcore_axis_name="s")
    run = functools.partial(
        pl.kernel,
        mesh=mesh,
        compiler_params=pltpu.CompilerParams(needs_layout_passes=False),
        out_type=jax.ShapeDtypeStruct((OUT_ROWS, D_MODEL), jnp.float32),
        scratch_types=[
            pltpu.VMEM((2 * L,), jnp.int32),
            pltpu.VMEM((L,), jnp.int32),
            pltpu.VMEM((L,), jnp.int32),
        ]
        + [pltpu.VMEM((STAGE, D_MODEL), jnp.float32)] * NBUF
        + [pltpu.SemaphoreType.DMA] * (2 * NBUF),
    )(_flat_body)
    return run(x_global, meta)


def kernel(x_global, seqlens, seqlens_perm_idxs, chunk_sel):
    meta = jnp.concatenate([
        jnp.asarray(seqlens, jnp.int32),
        jnp.asarray(seqlens_perm_idxs, jnp.int32),
        jnp.asarray(chunk_sel, jnp.int32),
        jnp.zeros((NSEL,), jnp.int32),
    ])
    return _dispatch(x_global, meta)

# --- scband reference (transcript-rebuilt; emitter-appended) ---
"""Pipeline reference for scband-sequence-dispatcher-87213605912588 (READ-ONLY COPY).

The authoritative reference and input builder live on the scoring server;
editing this copy changes nothing except your own understanding.
"""

import jax, jax.numpy as jnp
import numpy as np

TOTAL_TOKENS = 16384
D_MODEL = 2048
NUM_CHUNKS = 64
CP_SIZE = 8
CP_RANK = 0


def setup_inputs(seed: int = 0) -> dict:
    key = jax.random.key(seed)
    x_global = jax.random.normal(key, (TOTAL_TOKENS, D_MODEL), dtype=jnp.float32)
    # ragged per-sample seqlens summing to TOTAL_TOKENS (batch=8)
    seqlens = np.array([1024, 3072, 2048, 512, 4096, 1536, 2560, 1536], dtype=np.int64)
    assert int(seqlens.sum()) == TOTAL_TOKENS
    rs = np.random.RandomState(42)
    # permutation of the sample order (meta.seqlens_perm_idxs)
    seqlens_perm_idxs = rs.permutation(len(seqlens)).astype(np.int64)
    # balanced partition of chunks across cp ranks (meta.partitions_permed)
    partitions = rs.permutation(NUM_CHUNKS).reshape(CP_SIZE, -1)
    chunk_sel = np.sort(partitions[CP_RANK]).astype(np.int64)
    return {
        "x_global": x_global,
        "seqlens": jnp.asarray(seqlens),
        "seqlens_perm_idxs": jnp.asarray(seqlens_perm_idxs),
        "chunk_sel": jnp.asarray(chunk_sel),
    }


def reference(x_global, seqlens, seqlens_perm_idxs, chunk_sel):
    # Faithful translation of SequenceDispatcher.dispatch along seq_dim=0:
    #   split -> permute samples -> chunk -> gather this rank's chunks
    seqlens = jnp.asarray(seqlens)
    perm = jnp.asarray(seqlens_perm_idxs)
    sel = jnp.asarray(chunk_sel)
    total = x_global.shape[0]
    # exclusive prefix sums: start offset of each original sample
    starts = jnp.concatenate([jnp.zeros((1,), dtype=seqlens.dtype), jnp.cumsum(seqlens)[:-1]])
    # permuted sample lengths and their start/end offsets in the permuted concat
    seqlens_perm = seqlens[perm]
    perm_ends = jnp.cumsum(seqlens_perm)
    perm_starts = perm_ends - seqlens_perm
    # for each output token, which permuted sample it falls in, and its source row
    t = jnp.arange(total, dtype=perm_ends.dtype)
    j = jnp.searchsorted(perm_ends, t, side="right")
    src = starts[perm[j]] + (t - perm_starts[j])
    # permuted concat (torch.concat of permuted splits) as a single gather
    x_perm = x_global[src]
    # torch.chunk into NUM_CHUNKS equal chunks along dim 0
    chunk_size = total // NUM_CHUNKS
    x_chunked = x_perm.reshape(NUM_CHUNKS, chunk_size, x_perm.shape[1])
    # gather this cp rank's chunks and concat
    x_local = jnp.take(x_chunked, sel, axis=0).reshape(-1, x_perm.shape[1])
    return x_local

if __name__ == "__main__":
    import jax
    _d = setup_inputs()
    print(jax.jit(kernel)(*tuple(_d.values())))

</pallas_src>

<mosaic_0001>
#map = affine_map<(d0, d1) -> (0, 0)>
#map1 = affine_map<(d0, d1) -> (0)>
module attributes {stable_mosaic.version = 14 : i64} {
  func.func @_flat_body(%arg0: i32, %arg1: i32, %arg2: memref<16384x2048xf32, #tpu.memory_space<hbm>>, %arg3: memref<32xi32, #tpu.memory_space<hbm>>, %arg4: memref<2048x2048xf32, #tpu.memory_space<hbm>>, %arg5: memref<32xi32, #tpu.memory_space<vmem>>, %arg6: memref<16xi32, #tpu.memory_space<vmem>>, %arg7: memref<16xi32, #tpu.memory_space<vmem>>, %arg8: memref<16x2048xf32, #tpu.memory_space<vmem>>, %arg9: memref<16x2048xf32, #tpu.memory_space<vmem>>, %arg10: memref<16x2048xf32, #tpu.memory_space<vmem>>, %arg11: memref<!tpu.dma_semaphore, #tpu.memory_space<semaphore_mem>>, %arg12: memref<!tpu.dma_semaphore, #tpu.memory_space<semaphore_mem>>, %arg13: memref<!tpu.dma_semaphore, #tpu.memory_space<semaphore_mem>>, %arg14: memref<!tpu.dma_semaphore, #tpu.memory_space<semaphore_mem>>, %arg15: memref<!tpu.dma_semaphore, #tpu.memory_space<semaphore_mem>>, %arg16: memref<!tpu.dma_semaphore, #tpu.memory_space<semaphore_mem>>) attributes {dimension_semantics = [#tpu.dimension_semantics<core_parallel>, #tpu.dimension_semantics<subcore_parallel>], iteration_bounds = array<i64: 2, 16>, scalar_prefetch = 0 : i64, scratch_operands = 12 : i64, tpu.core_type = #tpu.core_type<sc_vector_subcore>, window_params = [{transform_indices = #map}, {transform_indices = #map1}, {transform_indices = #map}]} {
    %mul3A = arith.constant 2 : i32
    %mul3A_0 = arith.muli %arg1, %mul3A : i32
    %add3A = arith.addi %mul3A_0, %arg0 : i32
    %mul3A_1 = arith.constant 64 : i32
    %mul3A_2 = arith.muli %add3A, %mul3A_1 : i32
    %iota3A = tpu.iota {dimensions = array<i32: 0>} : vector<16xi32>
    "tpu.region"() ({
      %run_scoped3A = tpu.sem_alloc : memref<!tpu.dma_semaphore, #tpu.memory_space<semaphore_mem>>
      tpu.enqueue_dma source(%arg3 : memref<32xi32, #tpu.memory_space<hbm>>) target(%arg5 : memref<32xi32, #tpu.memory_space<vmem>>) target_semaphore(%run_scoped3A : memref<!tpu.dma_semaphore, #tpu.memory_space<semaphore_mem>>)
      tpu.wait_dma2 semaphore(%run_scoped3A : memref<!tpu.dma_semaphore, #tpu.memory_space<semaphore_mem>>) src(%arg3 : memref<32xi32, #tpu.memory_space<hbm>>) dst(%arg5 : memref<32xi32, #tpu.memory_space<vmem>>)
      tpu.yield
    }) : () -> ()
    %get3A = arith.constant 0 : index
    %get3A_3 = tpu.vector_load %arg5[%get3A] {strides = array<i32>} : memref<32xi32, #tpu.memory_space<vmem>>, vector<16xi32>,
    %lt3A = arith.constant 8 : i32
    %lt3A_4 = vector.broadcast %lt3A : i32 to vector<16xi32>
    %lt3A_5 = arith.cmpi slt, %iota3A, %lt3A_4 : vector<16xi32>
    %get3A_6 = arith.constant 8 : index
    %get3A_7 = tpu.vector_load %arg5[%get3A_6] {strides = array<i32>} : memref<32xi32, #tpu.memory_space<vmem>>, vector<16xi32>,
    %jit3A = arith.constant 0 : i32
    %broadcast_in_dim3A = vector.broadcast %jit3A : i32 to vector<16xi32>
    %select_n3A = arith.select %lt3A_5, %get3A_7, %broadcast_in_dim3A : vector<16xi1>, vector<16xi32>
    %broadcast_in_dim3A_8 = arith.constant 0 : i32
    %broadcast_in_dim3A_9 = vector.broadcast %broadcast_in_dim3A_8 : i32 to vector<16xi32>
    %ge3A = arith.constant 0 : i32
    %ge3A_10 = vector.broadcast %ge3A : i32 to vector<16xi32>
    %ge3A_11 = arith.cmpi sge, %iota3A, %ge3A_10 : vector<16xi32>
    %slice3A = vector.extract_strided_slice %get3A_3 {offsets = [0], sizes = [1], strides = [1]} : vector<16xi32> to vector<1xi32>
    %squeeze3A = vector.extract %slice3A[0] : i32 from vector<1xi32>
    %jit3A_12 = arith.constant 0 : i32
    %broadcast_in_dim3A_13 = vector.broadcast %squeeze3A : i32 to vector<16xi32>
    %broadcast_in_dim3A_14 = vector.broadcast %jit3A_12 : i32 to vector<16xi32>
    %select_n3A_15 = arith.select %ge3A_11, %broadcast_in_dim3A_13, %broadcast_in_dim3A_14 : vector<16xi1>, vector<16xi32>
    %add3A_16 = arith.addi %broadcast_in_dim3A_9, %select_n3A_15 : vector<16xi32>
    %ge3A_17 = arith.constant 1 : i32
    %ge3A_18 = vector.broadcast %ge3A_17 : i32 to vector<16xi32>
    %ge3A_19 = arith.cmpi sge, %iota3A, %ge3A_18 : vector<16xi32>
    %slice3A_20 = vector.extract_strided_slice %get3A_3 {offsets = [1], sizes = [1], strides = [1]} : vector<16xi32> to vector<1xi32>
    %squeeze3A_21 = vector.extract %slice3A_20[0] : i32 from vector<1xi32>
    %jit3A_22 = arith.constant 0 : i32
    %broadcast_in_dim3A_23 = vector.broadcast %squeeze3A_21 : i32 to vector<16xi32>
    %broadcast_in_dim3A_24 = vector.broadcast %jit3A_22 : i32 to vector<16xi32>
    %select_n3A_25 = arith.select %ge3A_19, %broadcast_in_dim3A_23, %broadcast_in_dim3A_24 : vector<16xi1>, vector<16xi32>
    %add3A_26 = arith.addi %add3A_16, %select_n3A_25 : vector<16xi32>
    %ge3A_27 = arith.constant 2 : i32
    %ge3A_28 = vector.broadcast %ge3A_27 : i32 to vector<16xi32>
    %ge3A_29 = arith.cmpi sge, %iota3A, %ge3A_28 : vector<16xi32>
    %slice3A_30 = vector.extract_strided_slice %get3A_3 {offsets = [2], sizes = [1], strides = [1]} : vector<16xi32> to vector<1xi32>
    %squeeze3A_31 = vector.extract %slice3A_30[0] : i32 from vector<1xi32>
    %jit3A_32 = arith.constant 0 : i32
    %broadcast_in_dim3A_33 = vector.broadcast %squeeze3A_31 : i32 to vector<16xi32>
    %broadcast_in_dim3A_34 = vector.broadcast %jit3A_32 : i32 to vector<16xi32>
    %select_n3A_35 = arith.select %ge3A_29, %broadcast_in_dim3A_33, %broadcast_in_dim3A_34 : vector<16xi1>, vector<16xi32>
    %add3A_36 = arith.addi %add3A_26, %select_n3A_35 : vector<16xi32>
    %ge3A_37 = arith.constant 3 : i32
    %ge3A_38 = vector.broadcast %ge3A_37 : i32 to vector<16xi32>
    %ge3A_39 = arith.cmpi sge, %iota3A, %ge3A_38 : vector<16xi32>
    %slice3A_40 = vector.extract_strided_slice %get3A_3 {offsets = [3], sizes = [1], strides = [1]} : vector<16xi32> to vector<1xi32>
    %squeeze3A_41 = vector.extract %slice3A_40[0] : i32 from vector<1xi32>
    %jit3A_42 = arith.constant 0 : i32
    %broadcast_in_dim3A_43 = vector.broadcast %squeeze3A_41 : i32 to vector<16xi32>
    %broadcast_in_dim3A_44 = vector.broadcast %jit3A_42 : i32 to vector<16xi32>
    %select_n3A_45 = arith.select %ge3A_39, %broadcast_in_dim3A_43, %broadcast_in_dim3A_44 : vector<16xi1>, vector<16xi32>
    %add3A_46 = arith.addi %add3A_36, %select_n3A_45 : vector<16xi32>
    %ge3A_47 = arith.constant 4 : i32
    %ge3A_48 = vector.broadcast %ge3A_47 : i32 to vector<16xi32>
    %ge3A_49 = arith.cmpi sge, %iota3A, %ge3A_48 : vector<16xi32>
    %slice3A_50 = vector.extract_strided_slice %get3A_3 {offsets = [4], sizes = [1], strides = [1]} : vector<16xi32> to vector<1xi32>
    %squeeze3A_51 = vector.extract %slice3A_50[0] : i32 from vector<1xi32>
    %jit3A_52 = arith.constant 0 : i32
    %broadcast_in_dim3A_53 = vector.broadcast %squeeze3A_51 : i32 to vector<16xi32>
    %broadcast_in_dim3A_54 = vector.broadcast %jit3A_52 : i32 to vector<16xi32>
    %select_n3A_55 = arith.select %ge3A_49, %broadcast_in_dim3A_53, %broadcast_in_dim3A_54 : vector<16xi1>, vector<16xi32>
    %add3A_56 = arith.addi %add3A_46, %select_n3A_55 : vector<16xi32>
    %ge3A_57 = arith.constant 5 : i32
    %ge3A_58 = vector.broadcast %ge3A_57 : i32 to vector<16xi32>
    %ge3A_59 = arith.cmpi sge, %iota3A, %ge3A_58 : vector<16xi32>
    %slice3A_60 = vector.extract_strided_slice %get3A_3 {offsets = [5], sizes = [1], strides = [1]} : vector<16xi32> to vector<1xi32>
    %squeeze3A_61 = vector.extract %slice3A_60[0] : i32 from vector<1xi32>
    %jit3A_62 = arith.constant 0 : i32
    %broadcast_in_dim3A_63 = vector.broadcast %squeeze3A_61 : i32 to vector<16xi32>
    %broadcast_in_dim3A_64 = vector.broadcast %jit3A_62 : i32 to vector<16xi32>
    %select_n3A_65 = arith.select %ge3A_59, %broadcast_in_dim3A_63, %broadcast_in_dim3A_64 : vector<16xi1>, vector<16xi32>
    %add3A_66 = arith.addi %add3A_56, %select_n3A_65 : vector<16xi32>
    %ge3A_67 = arith.constant 6 : i32
    %ge3A_68 = vector.broadcast %ge3A_67 : i32 to vector<16xi32>
    %ge3A_69 = arith.cmpi sge, %iota3A, %ge3A_68 : vector<16xi32>
    %slice3A_70 = vector.extract_strided_slice %get3A_3 {offsets = [6], sizes = [1], strides = [1]} : vector<16xi32> to vector<1xi32>
    %squeeze3A_71 = vector.extract %slice3A_70[0] : i32 from vector<1xi32>
    %jit3A_72 = arith.constant 0 : i32
    %broadcast_in_dim3A_73 = vector.broadcast %squeeze3A_71 : i32 to vector<16xi32>
    %broadcast_in_dim3A_74 = vector.broadcast %jit3A_72 : i32 to vector<16xi32>
    %select_n3A_75 = arith.select %ge3A_69, %broadcast_in_dim3A_73, %broadcast_in_dim3A_74 : vector<16xi1>, vector<16xi32>
    %add3A_76 = arith.addi %add3A_66, %select_n3A_75 : vector<16xi32>
    %ge3A_77 = arith.constant 7 : i32
    %ge3A_78 = vector.broadcast %ge3A_77 : i32 to vector<16xi32>
    %ge3A_79 = arith.cmpi sge, %iota3A, %ge3A_78 : vector<16xi32>
    %slice3A_80 = vector.extract_strided_slice %get3A_3 {offsets = [7], sizes = [1], strides = [1]} : vector<16xi32> to vector<1xi32>
    %squeeze3A_81 = vector.extract %slice3A_80[0] : i32 from vector<1xi32>
    %jit3A_82 = arith.constant 0 : i32
    %broadcast_in_dim3A_83 = vector.broadcast %squeeze3A_81 : i32 to vector<16xi32>
    %broadcast_in_dim3A_84 = vector.broadcast %jit3A_82 : i32 to vector<16xi32>
    %select_n3A_85 = arith.select %ge3A_79, %broadcast_in_dim3A_83, %broadcast_in_dim3A_84 : vector<16xi1>, vector<16xi32>
    %add3A_86 = arith.addi %add3A_76, %select_n3A_85 : vector<16xi32>
    %sub3A = arith.subi %add3A_86, %get3A_3 : vector<16xi32>
    %swap3A = arith.constant 0 : index
    %swap3A_87 = tpu.vector_load %arg6[%swap3A] {strides = array<i32>} : memref<16xi32, #tpu.memory_space<vmem>>, vector<16xi32>,
    tpu.vector_store %arg6[%swap3A], %sub3A {strides = array<i32>} : memref<16xi32, #tpu.memory_space<vmem>>, vector<16xi32>,
    %gather3A = tpu.vector_load_idx %arg5[%select_n3A] : memref<32xi32, #tpu.memory_space<vmem>>[vector<16xi32>], vector<16xi32>,
    %broadcast_in_dim3A_88 = arith.constant 0 : i32
    %broadcast_in_dim3A_89 = vector.broadcast %broadcast_in_dim3A_88 : i32 to vector<16xi32>
    %ge3A_90 = arith.constant 0 : i32
    %ge3A_91 = vector.broadcast %ge3A_90 : i32 to vector<16xi32>
    %ge3A_92 = arith.cmpi sge, %iota3A, %ge3A_91 : vector<16xi32>
    %slice3A_93 = vector.extract_strided_slice %gather3A {offsets = [0], sizes = [1], strides = [1]} : vector<16xi32> to vector<1xi32>
    %squeeze3A_94 = vector.extract %slice3A_93[0] : i32 from vector<1xi32>
    %jit3A_95 = arith.constant 0 : i32
    %broadcast_in_dim3A_96 = vector.broadcast %squeeze3A_94 : i32 to vector<16xi32>
    %broadcast_in_dim3A_97 = vector.broadcast %jit3A_95 : i32 to vector<16xi32>
    %select_n3A_98 = arith.select %ge3A_92, %broadcast_in_dim3A_96, %broadcast_in_dim3A_97 : vector<16xi1>, vector<16xi32>
    %add3A_99 = arith.addi %broadcast_in_dim3A_89, %select_n3A_98 : vector<16xi32>
    %ge3A_100 = arith.constant 1 : i32
    %ge3A_101 = vector.broadcast %ge3A_100 : i32 to vector<16xi32>
    %ge3A_102 = arith.cmpi sge, %iota3A, %ge3A_101 : vector<16xi32>
    %slice3A_103 = vector.extract_strided_slice %gather3A {offsets = [1], sizes = [1], strides = [1]} : vector<16xi32> to vector<1xi32>
    %squeeze3A_104 = vector.extract %slice3A_103[0] : i32 from vector<1xi32>
    %jit3A_105 = arith.constant 0 : i32
    %broadcast_in_dim3A_106 = vector.broadcast %squeeze3A_104 : i32 to vector<16xi32>
    %broadcast_in_dim3A_107 = vector.broadcast %jit3A_105 : i32 to vector<16xi32>
    %select_n3A_108 = arith.select %ge3A_102, %broadcast_in_dim3A_106, %broadcast_in_dim3A_107 : vector<16xi1>, vector<16xi32>
    %add3A_109 = arith.addi %add3A_99, %select_n3A_108 : vector<16xi32>
    %ge3A_110 = arith.constant 2 : i32
    %ge3A_111 = vector.broadcast %ge3A_110 : i32 to vector<16xi32>
    %ge3A_112 = arith.cmpi sge, %iota3A, %ge3A_111 : vector<16xi32>
    %slice3A_113 = vector.extract_strided_slice %gather3A {offsets = [2], sizes = [1], strides = [1]} : vector<16xi32> to vector<1xi32>
    %squeeze3A_114 = vector.extract %slice3A_113[0] : i32 from vector<1xi32>
    %jit3A_115 = arith.constant 0 : i32
    %broadcast_in_dim3A_116 = vector.broadcast %squeeze3A_114 : i32 to vector<16xi32>
    %broadcast_in_dim3A_117 = vector.broadcast %jit3A_115 : i32 to vector<16xi32>
    %select_n3A_118 = arith.select %ge3A_112, %broadcast_in_dim3A_116, %broadcast_in_dim3A_117 : vector<16xi1>, vector<16xi32>
    %add3A_119 = arith.addi %add3A_109, %select_n3A_118 : vector<16xi32>
    %ge3A_120 = arith.constant 3 : i32
    %ge3A_121 = vector.broadcast %ge3A_120 : i32 to vector<16xi32>
    %ge3A_122 = arith.cmpi sge, %iota3A, %ge3A_121 : vector<16xi32>
    %slice3A_123 = vector.extract_strided_slice %gather3A {offsets = [3], sizes = [1], strides = [1]} : vector<16xi32> to vector<1xi32>
    %squeeze3A_124 = vector.extract %slice3A_123[0] : i32 from vector<1xi32>
    %jit3A_125 = arith.constant 0 : i32
    %broadcast_in_dim3A_126 = vector.broadcast %squeeze3A_124 : i32 to vector<16xi32>
    %broadcast_in_dim3A_127 = vector.broadcast %jit3A_125 : i32 to vector<16xi32>
    %select_n3A_128 = arith.select %ge3A_122, %broadcast_in_dim3A_126, %broadcast_in_dim3A_127 : vector<16xi1>, vector<16xi32>
    %add3A_129 = arith.addi %add3A_119, %select_n3A_128 : vector<16xi32>
    %ge3A_130 = arith.constant 4 : i32
    %ge3A_131 = vector.broadcast %ge3A_130 : i32 to vector<16xi32>
    %ge3A_132 = arith.cmpi sge, %iota3A, %ge3A_131 : vector<16xi32>
    %slice3A_133 = vector.extract_strided_slice %gather3A {offsets = [4], sizes = [1], strides = [1]} : vector<16xi32> to vector<1xi32>
    %squeeze3A_134 = vector.extract %slice3A_133[0] : i32 from vector<1xi32>
    %jit3A_135 = arith.constant 0 : i32
    %broadcast_in_dim3A_136 = vector.broadcast %squeeze3A_134 : i32 to vector<16xi32>
    %broadcast_in_dim3A_137 = vector.broadcast %jit3A_135 : i32 to vector<16xi32>
    %select_n3A_138 = arith.select %ge3A_132, %broadcast_in_dim3A_136, %broadcast_in_dim3A_137 : vector<16xi1>, vector<16xi32>
    %add3A_139 = arith.addi %add3A_129, %select_n3A_138 : vector<16xi32>
    %ge3A_140 = arith.constant 5 : i32
    %ge3A_141 = vector.broadcast %ge3A_140 : i32 to vector<16xi32>
    %ge3A_142 = arith.cmpi sge, %iota3A, %ge3A_141 : vector<16xi32>
    %slice3A_143 = vector.extract_strided_slice %gather3A {offsets = [5], sizes = [1], strides = [1]} : vector<16xi32> to vector<1xi32>
    %squeeze3A_144 = vector.extract %slice3A_143[0] : i32 from vector<1xi32>
    %jit3A_145 = arith.constant 0 : i32
    %broadcast_in_dim3A_146 = vector.broadcast %squeeze3A_144 : i32 to vector<16xi32>
    %broadcast_in_dim3A_147 = vector.broadcast %jit3A_145 : i32 to vector<16xi32>
    %select_n3A_148 = arith.select %ge3A_142, %broadcast_in_dim3A_146, %broadcast_in_dim3A_147 : vector<16xi1>, vector<16xi32>
    %add3A_149 = arith.addi %add3A_139, %select_n3A_148 : vector<16xi32>
    %ge3A_150 = arith.constant 6 : i32
    %ge3A_151 = vector.broadcast %ge3A_150 : i32 to vector<16xi32>
    %ge3A_152 = arith.cmpi sge, %iota3A, %ge3A_151 : vector<16xi32>
    %slice3A_153 = vector.extract_strided_slice %gather3A {offsets = [6], sizes = [1], strides = [1]} : vector<16xi32> to vector<1xi32>
    %squeeze3A_154 = vector.extract %slice3A_153[0] : i32 from vector<1xi32>
    %jit3A_155 = arith.constant 0 : i32
    %broadcast_in_dim3A_156 = vector.broadcast %squeeze3A_154 : i32 to vector<16xi32>
    %broadcast_in_dim3A_157 = vector.broadcast %jit3A_155 : i32 to vector<16xi32>
    %select_n3A_158 = arith.select %ge3A_152, %broadcast_in_dim3A_156, %broadcast_in_dim3A_157 : vector<16xi1>, vector<16xi32>
    %add3A_159 = arith.addi %add3A_149, %select_n3A_158 : vector<16xi32>
    %ge3A_160 = arith.constant 7 : i32
    %ge3A_161 = vector.broadcast %ge3A_160 : i32 to vector<16xi32>
    %ge3A_162 = arith.cmpi sge, %iota3A, %ge3A_161 : vector<16xi32>
    %slice3A_163 = vector.extract_strided_slice %gather3A {offsets = [7], sizes = [1], strides = [1]} : vector<16xi32> to vector<1xi32>
    %squeeze3A_164 = vector.extract %slice3A_163[0] : i32 from vector<1xi32>
    %jit3A_165 = arith.constant 0 : i32
    %broadcast_in_dim3A_166 = vector.broadcast %squeeze3A_164 : i32 to vector<16xi32>
    %broadcast_in_dim3A_167 = vector.broadcast %jit3A_165 : i32 to vector<16xi32>
    %select_n3A_168 = arith.select %ge3A_162, %broadcast_in_dim3A_166, %broadcast_in_dim3A_167 : vector<16xi1>, vector<16xi32>
    %add3A_169 = arith.addi %add3A_159, %select_n3A_168 : vector<16xi32>
    %gather3A_170 = tpu.vector_load_idx %arg6[%select_n3A] : memref<16xi32, #tpu.memory_space<vmem>>[vector<16xi32>], vector<16xi32>,
    %sub3A_171 = arith.subi %add3A_169, %gather3A : vector<16xi32>
    %sub3A_172 = arith.subi %gather3A_170, %sub3A_171 : vector<16xi32>
    %swap3A_173 = arith.constant 0 : index
    %swap3A_174 = tpu.vector_load %arg7[%swap3A_173] {strides = array<i32>} : memref<16xi32, #tpu.memory_space<vmem>>, vector<16xi32>,
    tpu.vector_store %arg7[%swap3A_173], %sub3A_172 {strides = array<i32>} : memref<16xi32, #tpu.memory_space<vmem>>, vector<16xi32>,
    %add3A_175 = arith.constant 0 : i32
    %add3A_176 = arith.addi %mul3A_2, %add3A_175 : i32
    %add3A_177 = vector.broadcast %add3A_176 : i32 to vector<16xi32>
    %add3A_178 = arith.addi %add3A_177, %iota3A : vector<16xi32>
    %shift_right_logical3A = arith.constant 8 : i32
    %shift_right_logical3A_179 = vector.broadcast %shift_right_logical3A : i32 to vector<16xi32>
    %shift_right_logical3A_180 = arith.shrui %add3A_178, %shift_right_logical3A_179 : vector<16xi32>
    %and3A = arith.constant 255 : i32
    %and3A_181 = vector.broadcast %and3A : i32 to vector<16xi32>
    %and3A_182 = arith.andi %add3A_178, %and3A_181 : vector<16xi32>
    %add3A_183 = arith.constant 16 : i32
    %add3A_184 = vector.broadcast %add3A_183 : i32 to vector<16xi32>
    %add3A_185 = arith.addi %shift_right_logical3A_180, %add3A_184 : vector<16xi32>
    %gather3A_186 = tpu.vector_load_idx %arg5[%add3A_185] : memref<32xi32, #tpu.memory_space<vmem>>[vector<16xi32>], vector<16xi32>,
    %shift_left3A = arith.constant 8 : i32
    %shift_left3A_187 = vector.broadcast %shift_left3A : i32 to vector<16xi32>
    %shift_left3A_188 = arith.shli %gather3A_186, %shift_left3A_187 : vector<16xi32>
    %add3A_189 = arith.addi %shift_left3A_188, %and3A_182 : vector<16xi32>
    %broadcast_in_dim3A_190 = arith.constant 0 : i32
    %broadcast_in_dim3A_191 = vector.broadcast %broadcast_in_dim3A_190 : i32 to vector<16xi32>
    %slice3A_192 = vector.extract_strided_slice %add3A_169 {offsets = [0], sizes = [1], strides = [1]} : vector<16xi32> to vector<1xi32>
    %squeeze3A_193 = vector.extract %slice3A_192[0] : i32 from vector<1xi32>
    %ge3A_194 = vector.broadcast %squeeze3A_193 : i32 to vector<16xi32>
    %ge3A_195 = arith.cmpi sge, %add3A_189, %ge3A_194 : vector<16xi32>
    %jit3A_196 = arith.constant 1 : i32
    %jit3A_197 = arith.constant 0 : i32
    %broadcast_in_dim3A_198 = vector.broadcast %jit3A_196 : i32 to vector<16xi32>
    %broadcast_in_dim3A_199 = vector.broadcast %jit3A_197 : i32 to vector<16xi32>
    %select_n3A_200 = arith.select %ge3A_195, %broadcast_in_dim3A_198, %broadcast_in_dim3A_199 : vector<16xi1>, vector<16xi32>
    %add3A_201 = arith.addi %broadcast_in_dim3A_191, %select_n3A_200 : vector<16xi32>
    %slice3A_202 = vector.extract_strided_slice %add3A_169 {offsets = [1], sizes = [1], strides = [1]} : vector<16xi32> to vector<1xi32>
    %squeeze3A_203 = vector.extract %slice3A_202[0] : i32 from vector<1xi32>
    %ge3A_204 = vector.broadcast %squeeze3A_203 : i32 to vector<16xi32>
    %ge3A_205 = arith.cmpi sge, %add3A_189, %ge3A_204 : vector<16xi32>
    %jit3A_206 = arith.constant 1 : i32
    %jit3A_207 = arith.constant 0 : i32
    %broadcast_in_dim3A_208 = vector.broadcast %jit3A_206 : i32 to vector<16xi32>
    %broadcast_in_dim3A_209 = vector.broadcast %jit3A_207 : i32 to vector<16xi32>
    %select_n3A_210 = arith.select %ge3A_205, %broadcast_in_dim3A_208, %broadcast_in_dim3A_209 : vector<16xi1>, vector<16xi32>
    %add3A_211 = arith.addi %add3A_201, %select_n3A_210 : vector<16xi32>
    %slice3A_212 = vector.extract_strided_slice %add3A_169 {offsets = [2], sizes = [1], strides = [1]} : vector<16xi32> to vector<1xi32>
    %squeeze3A_213 = vector.extract %slice3A_212[0] : i32 from vector<1xi32>
    %ge3A_214 = vector.broadcast %squeeze3A_213 : i32 to vector<16xi32>
    %ge3A_215 = arith.cmpi sge, %add3A_189, %ge3A_214 : vector<16xi32>
    %jit3A_216 = arith.constant 1 : i32
    %jit3A_217 = arith.constant 0 : i32
    %broadcast_in_dim3A_218 = vector.broadcast %jit3A_216 : i32 to vector<16xi32>
    %broadcast_in_dim3A_219 = vector.broadcast %jit3A_217 : i32 to vector<16xi32>
    %select_n3A_220 = arith.select %ge3A_215, %broadcast_in_dim3A_218, %broadcast_in_dim3A_219 : vector<16xi1>, vector<16xi32>
    %add3A_221 = arith.addi %add3A_211, %select_n3A_220 : vector<16xi32>
    %slice3A_222 = vector.extract_strided_slice %add3A_169 {offsets = [3], sizes = [1], strides = [1]} : vector<16xi32> to vector<1xi32>
    %squeeze3A_223 = vector.extract %slice3A_222[0] : i32 from vector<1xi32>
    %ge3A_224 = vector.broadcast %squeeze3A_223 : i32 to vector<16xi32>
    %ge3A_225 = arith.cmpi sge, %add3A_189, %ge3A_224 : vector<16xi32>
    %jit3A_226 = arith.constant 1 : i32
    %jit3A_227 = arith.constant 0 : i32
    %broadcast_in_dim3A_228 = vector.broadcast %jit3A_226 : i32 to vector<16xi32>
    %broadcast_in_dim3A_229 = vector.broadcast %jit3A_227 : i32 to vector<16xi32>
    %select_n3A_230 = arith.select %ge3A_225, %broadcast_in_dim3A_228, %broadcast_in_dim3A_229 : vector<16xi1>, vector<16xi32>
    %add3A_231 = arith.addi %add3A_221, %select_n3A_230 : vector<16xi32>
    %slice3A_232 = vector.extract_strided_slice %add3A_169 {offsets = [4], sizes = [1], strides = [1]} : vector<16xi32> to vector<1xi32>
    %squeeze3A_233 = vector.extract %slice3A_232[0] : i32 from vector<1xi32>
    %ge3A_234 = vector.broadcast %squeeze3A_233 : i32 to vector<16xi32>
    %ge3A_235 = arith.cmpi sge, %add3A_189, %ge3A_234 : vector<16xi32>
    %jit3A_236 = arith.constant 1 : i32
    %jit3A_237 = arith.constant 0 : i32
    %broadcast_in_dim3A_238 = vector.broadcast %jit3A_236 : i32 to vector<16xi32>
    %broadcast_in_dim3A_239 = vector.broadcast %jit3A_237 : i32 to vector<16xi32>
    %select_n3A_240 = arith.select %ge3A_235, %broadcast_in_dim3A_238, %broadcast_in_dim3A_239 : vector<16xi1>, vector<16xi32>
    %add3A_241 = arith.addi %add3A_231, %select_n3A_240 : vector<16xi32>
    %slice3A_242 = vector.extract_strided_slice %add3A_169 {offsets = [5], sizes = [1], strides = [1]} : vector<16xi32> to vector<1xi32>
    %squeeze3A_243 = vector.extract %slice3A_242[0] : i32 from vector<1xi32>
    %ge3A_244 = vector.broadcast %squeeze3A_243 : i32 to vector<16xi32>
    %ge3A_245 = arith.cmpi sge, %add3A_189, %ge3A_244 : vector<16xi32>
    %jit3A_246 = arith.constant 1 : i32
    %jit3A_247 = arith.constant 0 : i32
    %broadcast_in_dim3A_248 = vector.broadcast %jit3A_246 : i32 to vector<16xi32>
    %broadcast_in_dim3A_249 = vector.broadcast %jit3A_247 : i32 to vector<16xi32>
    %select_n3A_250 = arith.select %ge3A_245, %broadcast_in_dim3A_248, %broadcast_in_dim3A_249 : vector<16xi1>, vector<16xi32>
    %add3A_251 = arith.addi %add3A_241, %select_n3A_250 : vector<16xi32>
    %slice3A_252 = vector.extract_strided_slice %add3A_169 {offsets = [6], sizes = [1], strides = [1]} : vector<16xi32> to vector<1xi32>
    %squeeze3A_253 = vector.extract %slice3A_252[0] : i32 from vector<1xi32>
    %ge3A_254 = vector.broadcast %squeeze3A_253 : i32 to vector<16xi32>
    %ge3A_255 = arith.cmpi sge, %add3A_189, %ge3A_254 : vector<16xi32>
    %jit3A_256 = arith.constant 1 : i32
    %jit3A_257 = arith.constant 0 : i32
    %broadcast_in_dim3A_258 = vector.broadcast %jit3A_256 : i32 to vector<16xi32>
    %broadcast_in_dim3A_259 = vector.broadcast %jit3A_257 : i32 to vector<16xi32>
    %select_n3A_260 = arith.select %ge3A_255, %broadcast_in_dim3A_258, %broadcast_in_dim3A_259 : vector<16xi1>, vector<16xi32>
    %add3A_261 = arith.addi %add3A_251, %select_n3A_260 : vector<16xi32>
    %slice3A_262 = vector.extract_strided_slice %add3A_169 {offsets = [7], sizes = [1], strides = [1]} : vector<16xi32> to vector<1xi32>
    %squeeze3A_263 = vector.extract %slice3A_262[0] : i32 from vector<1xi32>
    %ge3A_264 = vector.broadcast %squeeze3A_263 : i32 to vector<16xi32>
    %ge3A_265 = arith.cmpi sge, %add3A_189, %ge3A_264 : vector<16xi32>
    %jit3A_266 = arith.constant 1 : i32
    %jit3A_267 = arith.constant 0 : i32
    %broadcast_in_dim3A_268 = vector.broadcast %jit3A_266 : i32 to vector<16xi32>
    %broadcast_in_dim3A_269 = vector.broadcast %jit3A_267 : i32 to vector<16xi32>
    %select_n3A_270 = arith.select %ge3A_265, %broadcast_in_dim3A_268, %broadcast_in_dim3A_269 : vector<16xi1>, vector<16xi32>
    %add3A_271 = arith.addi %add3A_261, %select_n3A_270 : vector<16xi32>
    %gather3A_272 = tpu.vector_load_idx %arg7[%add3A_271] : memref<16xi32, #tpu.memory_space<vmem>>[vector<16xi32>], vector<16xi32>,
    %add3A_273 = arith.addi %add3A_189, %gather3A_272 : vector<16xi32>
    %slice3A_274 = vector.extract_strided_slice %add3A_273 {offsets = [0], sizes = [1], strides = [1]} : vector<16xi32> to vector<1xi32>
    %squeeze3A_275 = vector.extract %slice3A_274[0] : i32 from vector<1xi32>
    %multiple_of3A = tpu.assume_multiple %squeeze3A_275, 16 : i32
    %add3A_276 = arith.constant 16 : i32
    %add3A_277 = arith.addi %mul3A_2, %add3A_276 : i32
    %add3A_278 = vector.broadcast %add3A_277 : i32 to vector<16xi32>
    %add3A_279 = arith.addi %add3A_278, %iota3A : vector<16xi32>
    %shift_right_logical3A_280 = arith.constant 8 : i32
    %shift_right_logical3A_281 = vector.broadcast %shift_right_logical3A_280 : i32 to vector<16xi32>
    %shift_right_logical3A_282 = arith.shrui %add3A_279, %shift_right_logical3A_281 : vector<16xi32>
    %and3A_283 = arith.constant 255 : i32
    %and3A_284 = vector.broadcast %and3A_283 : i32 to vector<16xi32>
    %and3A_285 = arith.andi %add3A_279, %and3A_284 : vector<16xi32>
    %add3A_286 = arith.constant 16 : i32
    %add3A_287 = vector.broadcast %add3A_286 : i32 to vector<16xi32>
    %add3A_288 = arith.addi %shift_right_logical3A_282, %add3A_287 : vector<16xi32>
    %gather3A_289 = tpu.vector_load_idx %arg5[%add3A_288] : memref<32xi32, #tpu.memory_space<vmem>>[vector<16xi32>], vector<16xi32>,
    %shift_left3A_290 = arith.constant 8 : i32
    %shift_left3A_291 = vector.broadcast %shift_left3A_290 : i32 to vector<16xi32>
    %shift_left3A_292 = arith.shli %gather3A_289, %shift_left3A_291 : vector<16xi32>
    %add3A_293 = arith.addi %shift_left3A_292, %and3A_285 : vector<16xi32>
    %broadcast_in_dim3A_294 = arith.constant 0 : i32
    %broadcast_in_dim3A_295 = vector.broadcast %broadcast_in_dim3A_294 : i32 to vector<16xi32>
    %slice3A_296 = vector.extract_strided_slice %add3A_169 {offsets = [0], sizes = [1], strides = [1]} : vector<16xi32> to vector<1xi32>
    %squeeze3A_297 = vector.extract %slice3A_296[0] : i32 from vector<1xi32>
    %ge3A_298 = vector.broadcast %squeeze3A_297 : i32 to vector<16xi32>
    %ge3A_299 = arith.cmpi sge, %add3A_293, %ge3A_298 : vector<16xi32>
    %jit3A_300 = arith.constant 1 : i32
    %jit3A_301 = arith.constant 0 : i32
    %broadcast_in_dim3A_302 = vector.broadcast %jit3A_300 : i32 to vector<16xi32>
    %broadcast_in_dim3A_303 = vector.broadcast %jit3A_301 : i32 to vector<16xi32>
    %select_n3A_304 = arith.select %ge3A_299, %broadcast_in_dim3A_302, %broadcast_in_dim3A_303 : vector<16xi1>, vector<16xi32>
    %add3A_305 = arith.addi %broadcast_in_dim3A_295, %select_n3A_304 : vector<16xi32>
    %slice3A_306 = vector.extract_strided_slice %add3A_169 {offsets = [1], sizes = [1], strides = [1]} : vector<16xi32> to vector<1xi32>
    %squeeze3A_307 = vector.extract %slice3A_306[0] : i32 from vector<1xi32>
    %ge3A_308 = vector.broadcast %squeeze3A_307 : i32 to vector<16xi32>
    %ge3A_309 = arith.cmpi sge, %add3A_293, %ge3A_308 : vector<16xi32>
    %jit3A_310 = arith.constant 1 : i32
    %jit3A_311 = arith.constant 0 : i32
    %broadcast_in_dim3A_312 = vector.broadcast %jit3A_310 : i32 to vector<16xi32>
    %broadcast_in_dim3A_313 = vector.broadcast %jit3A_311 : i32 to vector<16xi32>
    %select_n3A_314 = arith.select %ge3A_309, %broadcast_in_dim3A_312, %broadcast_in_dim3A_313 : vector<16xi1>, vector<16xi32>
    %add3A_315 = arith.addi %add3A_305, %select_n3A_314 : vector<16xi32>
    %slice3A_316 = vector.extract_strided_slice %add3A_169 {offsets = [2], sizes = [1], strides = [1]} : vector<16xi32> to vector<1xi32>
    %squeeze3A_317 = vector.extract %slice3A_316[0] : i32 from vector<1xi32>
    %ge3A_318 = vector.broadcast %squeeze3A_317 : i32 to vector<16xi32>
    %ge3A_319 = arith.cmpi sge, %add3A_293, %ge3A_318 : vector<16xi32>
    %jit3A_320 = arith.constant 1 : i32
    %jit3A_321 = arith.constant 0 : i32
    %broadcast_in_dim3A_322 = vector.broadcast %jit3A_320 : i32 to vector<16xi32>
    %broadcast_in_dim3A_323 = vector.broadcast %jit3A_321 : i32 to vector<16xi32>
    %select_n3A_324 = arith.select %ge3A_319, %broadcast_in_dim3A_322, %broadcast_in_dim3A_323 : vector<16xi1>, vector<16xi32>
    %add3A_325 = arith.addi %add3A_315, %select_n3A_324 : vector<16xi32>
    %slice3A_326 = vector.extract_strided_slice %add3A_169 {offsets = [3], sizes = [1], strides = [1]} : vector<16xi32> to vector<1xi32>
    %squeeze3A_327 = vector.extract %slice3A_326[0] : i32 from vector<1xi32>
    %ge3A_328 = vector.broadcast %squeeze3A_327 : i32 to vector<16xi32>
    %ge3A_329 = arith.cmpi sge, %add3A_293, %ge3A_328 : vector<16xi32>
    %jit3A_330 = arith.constant 1 : i32
    %jit3A_331 = arith.constant 0 : i32
    %broadcast_in_dim3A_332 = vector.broadcast %jit3A_330 : i32 to vector<16xi32>
    %broadcast_in_dim3A_333 = vector.broadcast %jit3A_331 : i32 to vector<16xi32>
    %select_n3A_334 = arith.select %ge3A_329, %broadcast_in_dim3A_332, %broadcast_in_dim3A_333 : vector<16xi1>, vector<16xi32>
    %add3A_335 = arith.addi %add3A_325, %select_n3A_334 : vector<16xi32>
    %slice3A_336 = vector.extract_strided_slice %add3A_169 {offsets = [4], sizes = [1], strides = [1]} : vector<16xi32> to vector<1xi32>
    %squeeze3A_337 = vector.extract %slice3A_336[0] : i32 from vector<1xi32>
    %ge3A_338 = vector.broadcast %squeeze3A_337 : i32 to vector<16xi32>
    %ge3A_339 = arith.cmpi sge, %add3A_293, %ge3A_338 : vector<16xi32>
    %jit3A_340 = arith.constant 1 : i32
    %jit3A_341 = arith.constant 0 : i32
    %broadcast_in_dim3A_342 = vector.broadcast %jit3A_340 : i32 to vector<16xi32>
    %broadcast_in_dim3A_343 = vector.broadcast %jit3A_341 : i32 to vector<16xi32>
    %select_n3A_344 = arith.select %ge3A_339, %broadcast_in_dim3A_342, %broadcast_in_dim3A_343 : vector<16xi1>, vector<16xi32>
    %add3A_345 = arith.addi %add3A_335, %select_n3A_344 : vector<16xi32>
    %slice3A_346 = vector.extract_strided_slice %add3A_169 {offsets = [5], sizes = [1], strides = [1]} : vector<16xi32> to vector<1xi32>
    %squeeze3A_347 = vector.extract %slice3A_346[0] : i32 from vector<1xi32>
    %ge3A_348 = vector.broadcast %squeeze3A_347 : i32 to vector<16xi32>
    %ge3A_349 = arith.cmpi sge, %add3A_293, %ge3A_348 : vector<16xi32>
    %jit3A_350 = arith.constant 1 : i32
    %jit3A_351 = arith.constant 0 : i32
    %broadcast_in_dim3A_352 = vector.broadcast %jit3A_350 : i32 to vector<16xi32>
    %broadcast_in_dim3A_353 = vector.broadcast %jit3A_351 : i32 to vector<16xi32>
    %select_n3A_354 = arith.select %ge3A_349, %broadcast_in_dim3A_352, %broadcast_in_dim3A_353 : vector<16xi1>, vector<16xi32>
    %add3A_355 = arith.addi %add3A_345, %select_n3A_354 : vector<16xi32>
    %slice3A_356 = vector.extract_strided_slice %add3A_169 {offsets = [6], sizes = [1], strides = [1]} : vector<16xi32> to vector<1xi32>
    %squeeze3A_357 = vector.extract %slice3A_356[0] : i32 from vector<1xi32>
    %ge3A_358 = vector.broadcast %squeeze3A_357 : i32 to vector<16xi32>
    %ge3A_359 = arith.cmpi sge, %add3A_293, %ge3A_358 : vector<16xi32>
    %jit3A_360 = arith.constant 1 : i32
    %jit3A_361 = arith.constant 0 : i32
    %broadcast_in_dim3A_362 = vector.broadcast %jit3A_360 : i32 to vector<16xi32>
    %broadcast_in_dim3A_363 = vector.broadcast %jit3A_361 : i32 to vector<16xi32>
    %select_n3A_364 = arith.select %ge3A_359, %broadcast_in_dim3A_362, %broadcast_in_dim3A_363 : vector<16xi1>, vector<16xi32>
    %add3A_365 = arith.addi %add3A_355, %select_n3A_364 : vector<16xi32>
    %slice3A_366 = vector.extract_strided_slice %add3A_169 {offsets = [7], sizes = [1], strides = [1]} : vector<16xi32> to vector<1xi32>
    %squeeze3A_367 = vector.extract %slice3A_366[0] : i32 from vector<1xi32>
    %ge3A_368 = vector.broadcast %squeeze3A_367 : i32 to vector<16xi32>
    %ge3A_369 = arith.cmpi sge, %add3A_293, %ge3A_368 : vector<16xi32>
    %jit3A_370 = arith.constant 1 : i32
    %jit3A_371 = arith.constant 0 : i32
    %broadcast_in_dim3A_372 = vector.broadcast %jit3A_370 : i32 to vector<16xi32>
    %broadcast_in_dim3A_373 = vector.broadcast %jit3A_371 : i32 to vector<16xi32>
    %select_n3A_374 = arith.select %ge3A_369, %broadcast_in_dim3A_372, %broadcast_in_dim3A_373 : vector<16xi1>, vector<16xi32>
    %add3A_375 = arith.addi %add3A_365, %select_n3A_374 : vector<16xi32>
    %gather3A_376 = tpu.vector_load_idx %arg7[%add3A_375] : memref<16xi32, #tpu.memory_space<vmem>>[vector<16xi32>], vector<16xi32>,
    %add3A_377 = arith.addi %add3A_293, %gather3A_376 : vector<16xi32>
    %slice3A_378 = vector.extract_strided_slice %add3A_377 {offsets = [0], sizes = [1], strides = [1]} : vector<16xi32> to vector<1xi32>
    %squeeze3A_379 = vector.extract %slice3A_378[0] : i32 from vector<1xi32>
    %multiple_of3A_380 = tpu.assume_multiple %squeeze3A_379, 16 : i32
    %add3A_381 = arith.constant 32 : i32
    %add3A_382 = arith.addi %mul3A_2, %add3A_381 : i32
    %add3A_383 = vector.broadcast %add3A_382 : i32 to vector<16xi32>
    %add3A_384 = arith.addi %add3A_383, %iota3A : vector<16xi32>
    %shift_right_logical3A_385 = arith.constant 8 : i32
    %shift_right_logical3A_386 = vector.broadcast %shift_right_logical3A_385 : i32 to vector<16xi32>
    %shift_right_logical3A_387 = arith.shrui %add3A_384, %shift_right_logical3A_386 : vector<16xi32>
    %and3A_388 = arith.constant 255 : i32
    %and3A_389 = vector.broadcast %and3A_388 : i32 to vector<16xi32>
    %and3A_390 = arith.andi %add3A_384, %and3A_389 : vector<16xi32>
    %add3A_391 = arith.constant 16 : i32
    %add3A_392 = vector.broadcast %add3A_391 : i32 to vector<16xi32>
    %add3A_393 = arith.addi %shift_right_logical3A_387, %add3A_392 : vector<16xi32>
    %gather3A_394 = tpu.vector_load_idx %arg5[%add3A_393] : memref<32xi32, #tpu.memory_space<vmem>>[vector<16xi32>], vector<16xi32>,
    %shift_left3A_395 = arith.constant 8 : i32
    %shift_left3A_396 = vector.broadcast %shift_left3A_395 : i32 to vector<16xi32>
    %shift_left3A_397 = arith.shli %gather3A_394, %shift_left3A_396 : vector<16xi32>
    %add3A_398 = arith.addi %shift_left3A_397, %and3A_390 : vector<16xi32>
    %broadcast_in_dim3A_399 = arith.constant 0 : i32
    %broadcast_in_dim3A_400 = vector.broadcast %broadcast_in_dim3A_399 : i32 to vector<16xi32>
    %slice3A_401 = vector.extract_strided_slice %add3A_169 {offsets = [0], sizes = [1], strides = [1]} : vector<16xi32> to vector<1xi32>
    %squeeze3A_402 = vector.extract %slice3A_401[0] : i32 from vector<1xi32>
    %ge3A_403 = vector.broadcast %squeeze3A_402 : i32 to vector<16xi32>
    %ge3A_404 = arith.cmpi sge, %add3A_398, %ge3A_403 : vector<16xi32>
    %jit3A_405 = arith.constant 1 : i32
    %jit3A_406 = arith.constant 0 : i32
    %broadcast_in_dim3A_407 = vector.broadcast %jit3A_405 : i32 to vector<16xi32>
    %broadcast_in_dim3A_408 = vector.broadcast %jit3A_406 : i32 to vector<16xi32>
    %select_n3A_409 = arith.select %ge3A_404, %broadcast_in_dim3A_407, %broadcast_in_dim3A_408 : vector<16xi1>, vector<16xi32>
    %add3A_410 = arith.addi %broadcast_in_dim3A_400, %select_n3A_409 : vector<16xi32>
    %slice3A_411 = vector.extract_strided_slice %add3A_169 {offsets = [1], sizes = [1], strides = [1]} : vector<16xi32> to vector<1xi32>
    %squeeze3A_412 = vector.extract %slice3A_411[0] : i32 from vector<1xi32>
    %ge3A_413 = vector.broadcast %squeeze3A_412 : i32 to vector<16xi32>
    %ge3A_414 = arith.cmpi sge, %add3A_398, %ge3A_413 : vector<16xi32>
    %jit3A_415 = arith.constant 1 : i32
    %jit3A_416 = arith.constant 0 : i32
    %broadcast_in_dim3A_417 = vector.broadcast %jit3A_415 : i32 to vector<16xi32>
    %broadcast_in_dim3A_418 = vector.broadcast %jit3A_416 : i32 to vector<16xi32>
    %select_n3A_419 = arith.select %ge3A_414, %broadcast_in_dim3A_417, %broadcast_in_dim3A_418 : vector<16xi1>, vector<16xi32>
    %add3A_420 = arith.addi %add3A_410, %select_n3A_419 : vector<16xi32>
    %slice3A_421 = vector.extract_strided_slice %add3A_169 {offsets = [2], sizes = [1], strides = [1]} : vector<16xi32> to vector<1xi32>
    %squeeze3A_422 = vector.extract %slice3A_421[0] : i32 from vector<1xi32>
    %ge3A_423 = vector.broadcast %squeeze3A_422 : i32 to vector<16xi32>
    %ge3A_424 = arith.cmpi sge, %add3A_398, %ge3A_423 : vector<16xi32>
    %jit3A_425 = arith.constant 1 : i32
    %jit3A_426 = arith.constant 0 : i32
    %broadcast_in_dim3A_427 = vector.broadcast %jit3A_425 : i32 to vector<16xi32>
    %broadcast_in_dim3A_428 = vector.broadcast %jit3A_426 : i32 to vector<16xi32>
    %select_n3A_429 = arith.select %ge3A_424, %broadcast_in_dim3A_427, %broadcast_in_dim3A_428 : vector<16xi1>, vector<16xi32>
    %add3A_430 = arith.addi %add3A_420, %select_n3A_429 : vector<16xi32>
    %slice3A_431 = vector.extract_strided_slice %add3A_169 {offsets = [3], sizes = [1], strides = [1]} : vector<16xi32> to vector<1xi32>
    %squeeze3A_432 = vector.extract %slice3A_431[0] : i32 from vector<1xi32>
    %ge3A_433 = vector.broadcast %squeeze3A_432 : i32 to vector<16xi32>
    %ge3A_434 = arith.cmpi sge, %add3A_398, %ge3A_433 : vector<16xi32>
    %jit3A_435 = arith.constant 1 : i32
    %jit3A_436 = arith.constant 0 : i32
    %broadcast_in_dim3A_437 = vector.broadcast %jit3A_435 : i32 to vector<16xi32>
    %broadcast_in_dim3A_438 = vector.broadcast %jit3A_436 : i32 to vector<16xi32>
    %select_n3A_439 = arith.select %ge3A_434, %broadcast_in_dim3A_437, %broadcast_in_dim3A_438 : vector<16xi1>, vector<16xi32>
    %add3A_440 = arith.addi %add3A_430, %select_n3A_439 : vector<16xi32>
    %slice3A_441 = vector.extract_strided_slice %add3A_169 {offsets = [4], sizes = [1], strides = [1]} : vector<16xi32> to vector<1xi32>
    %squeeze3A_442 = vector.extract %slice3A_441[0] : i32 from vector<1xi32>
    %ge3A_443 = vector.broadcast %squeeze3A_442 : i32 to vector<16xi32>
    %ge3A_444 = arith.cmpi sge, %add3A_398, %ge3A_443 : vector<16xi32>
    %jit3A_445 = arith.constant 1 : i32
    %jit3A_446 = arith.constant 0 : i32
    %broadcast_in_dim3A_447 = vector.broadcast %jit3A_445 : i32 to vector<16xi32>
    %broadcast_in_dim3A_448 = vector.broadcast %jit3A_446 : i32 to vector<16xi32>
    %select_n3A_449 = arith.select %ge3A_444, %broadcast_in_dim3A_447, %broadcast_in_dim3A_448 : vector<16xi1>, vector<16xi32>
    %add3A_450 = arith.addi %add3A_440, %select_n3A_449 : vector<16xi32>
    %slice3A_451 = vector.extract_strided_slice %add3A_169 {offsets = [5], sizes = [1], strides = [1]} : vector<16xi32> to vector<1xi32>
    %squeeze3A_452 = vector.extract %slice3A_451[0] : i32 from vector<1xi32>
    %ge3A_453 = vector.broadcast %squeeze3A_452 : i32 to vector<16xi32>
    %ge3A_454 = arith.cmpi sge, %add3A_398, %ge3A_453 : vector<16xi32>
    %jit3A_455 = arith.constant 1 : i32
    %jit3A_456 = arith.constant 0 : i32
    %broadcast_in_dim3A_457 = vector.broadcast %jit3A_455 : i32 to vector<16xi32>
    %broadcast_in_dim3A_458 = vector.broadcast %jit3A_456 : i32 to vector<16xi32>
    %select_n3A_459 = arith.select %ge3A_454, %broadcast_in_dim3A_457, %broadcast_in_dim3A_458 : vector<16xi1>, vector<16xi32>
    %add3A_460 = arith.addi %add3A_450, %select_n3A_459 : vector<16xi32>
    %slice3A_461 = vector.extract_strided_slice %add3A_169 {offsets = [6], sizes = [1], strides = [1]} : vector<16xi32> to vector<1xi32>
    %squeeze3A_462 = vector.extract %slice3A_461[0] : i32 from vector<1xi32>
    %ge3A_463 = vector.broadcast %squeeze3A_462 : i32 to vector<16xi32>
    %ge3A_464 = arith.cmpi sge, %add3A_398, %ge3A_463 : vector<16xi32>
    %jit3A_465 = arith.constant 1 : i32
    %jit3A_466 = arith.constant 0 : i32
    %broadcast_in_dim3A_467 = vector.broadcast %jit3A_465 : i32 to vector<16xi32>
    %broadcast_in_dim3A_468 = vector.broadcast %jit3A_466 : i32 to vector<16xi32>
    %select_n3A_469 = arith.select %ge3A_464, %broadcast_in_dim3A_467, %broadcast_in_dim3A_468 : vector<16xi1>, vector<16xi32>
    %add3A_470 = arith.addi %add3A_460, %select_n3A_469 : vector<16xi32>
    %slice3A_471 = vector.extract_strided_slice %add3A_169 {offsets = [7], sizes = [1], strides = [1]} : vector<16xi32> to vector<1xi32>
    %squeeze3A_472 = vector.extract %slice3A_471[0] : i32 from vector<1xi32>
    %ge3A_473 = vector.broadcast %squeeze3A_472 : i32 to vector<16xi32>
    %ge3A_474 = arith.cmpi sge, %add3A_398, %ge3A_473 : vector<16xi32>
    %jit3A_475 = arith.constant 1 : i32
    %jit3A_476 = arith.constant 0 : i32
    %broadcast_in_dim3A_477 = vector.broadcast %jit3A_475 : i32 to vector<16xi32>
    %broadcast_in_dim3A_478 = vector.broadcast %jit3A_476 : i32 to vector<16xi32>
    %select_n3A_479 = arith.select %ge3A_474, %broadcast_in_dim3A_477, %broadcast_in_dim3A_478 : vector<16xi1>, vector<16xi32>
    %add3A_480 = arith.addi %add3A_470, %select_n3A_479 : vector<16xi32>
    %gather3A_481 = tpu.vector_load_idx %arg7[%add3A_480] : memref<16xi32, #tpu.memory_space<vmem>>[vector<16xi32>], vector<16xi32>,
    %add3A_482 = arith.addi %add3A_398, %gather3A_481 : vector<16xi32>
    %slice3A_483 = vector.extract_strided_slice %add3A_482 {offsets = [0], sizes = [1], strides = [1]} : vector<16xi32> to vector<1xi32>
    %squeeze3A_484 = vector.extract %slice3A_483[0] : i32 from vector<1xi32>
    %multiple_of3A_485 = tpu.assume_multiple %squeeze3A_484, 16 : i32
    %add3A_486 = arith.constant 48 : i32
    %add3A_487 = arith.addi %mul3A_2, %add3A_486 : i32
    %add3A_488 = vector.broadcast %add3A_487 : i32 to vector<16xi32>
    %add3A_489 = arith.addi %add3A_488, %iota3A : vector<16xi32>
    %shift_right_logical3A_490 = arith.constant 8 : i32
    %shift_right_logical3A_491 = vector.broadcast %shift_right_logical3A_490 : i32 to vector<16xi32>
    %shift_right_logical3A_492 = arith.shrui %add3A_489, %shift_right_logical3A_491 : vector<16xi32>
    %and3A_493 = arith.constant 255 : i32
    %and3A_494 = vector.broadcast %and3A_493 : i32 to vector<16xi32>
    %and3A_495 = arith.andi %add3A_489, %and3A_494 : vector<16xi32>
    %add3A_496 = arith.constant 16 : i32
    %add3A_497 = vector.broadcast %add3A_496 : i32 to vector<16xi32>
    %add3A_498 = arith.addi %shift_right_logical3A_492, %add3A_497 : vector<16xi32>
    %gather3A_499 = tpu.vector_load_idx %arg5[%add3A_498] : memref<32xi32, #tpu.memory_space<vmem>>[vector<16xi32>], vector<16xi32>,
    %shift_left3A_500 = arith.constant 8 : i32
    %shift_left3A_501 = vector.broadcast %shift_left3A_500 : i32 to vector<16xi32>
    %shift_left3A_502 = arith.shli %gather3A_499, %shift_left3A_501 : vector<16xi32>
    %add3A_503 = arith.addi %shift_left3A_502, %and3A_495 : vector<16xi32>
    %broadcast_in_dim3A_504 = arith.constant 0 : i32
    %broadcast_in_dim3A_505 = vector.broadcast %broadcast_in_dim3A_504 : i32 to vector<16xi32>
    %slice3A_506 = vector.extract_strided_slice %add3A_169 {offsets = [0], sizes = [1], strides = [1]} : vector<16xi32> to vector<1xi32>
    %squeeze3A_507 = vector.extract %slice3A_506[0] : i32 from vector<1xi32>
    %ge3A_508 = vector.broadcast %squeeze3A_507 : i32 to vector<16xi32>
    %ge3A_509 = arith.cmpi sge, %add3A_503, %ge3A_508 : vector<16xi32>
    %jit3A_510 = arith.constant 1 : i32
    %jit3A_511 = arith.constant 0 : i32
    %broadcast_in_dim3A_512 = vector.broadcast %jit3A_510 : i32 to vector<16xi32>
    %broadcast_in_dim3A_513 = vector.broadcast %jit3A_511 : i32 to vector<16xi32>
    %select_n3A_514 = arith.select %ge3A_509, %broadcast_in_dim3A_512, %broadcast_in_dim3A_513 : vector<16xi1>, vector<16xi32>
    %add3A_515 = arith.addi %broadcast_in_dim3A_505, %select_n3A_514 : vector<16xi32>
    %slice3A_516 = vector.extract_strided_slice %add3A_169 {offsets = [1], sizes = [1], strides = [1]} : vector<16xi32> to vector<1xi32>
    %squeeze3A_517 = vector.extract %slice3A_516[0] : i32 from vector<1xi32>
    %ge3A_518 = vector.broadcast %squeeze3A_517 : i32 to vector<16xi32>
    %ge3A_519 = arith.cmpi sge, %add3A_503, %ge3A_518 : vector<16xi32>
    %jit3A_520 = arith.constant 1 : i32
    %jit3A_521 = arith.constant 0 : i32
    %broadcast_in_dim3A_522 = vector.broadcast %jit3A_520 : i32 to vector<16xi32>
    %broadcast_in_dim3A_523 = vector.broadcast %jit3A_521 : i32 to vector<16xi32>
    %select_n3A_524 = arith.select %ge3A_519, %broadcast_in_dim3A_522, %broadcast_in_dim3A_523 : vector<16xi1>, vector<16xi32>
    %add3A_525 = arith.addi %add3A_515, %select_n3A_524 : vector<16xi32>
    %slice3A_526 = vector.extract_strided_slice %add3A_169 {offsets = [2], sizes = [1], strides = [1]} : vector<16xi32> to vector<1xi32>
    %squeeze3A_527 = vector.extract %slice3A_526[0] : i32 from vector<1xi32>
    %ge3A_528 = vector.broadcast %squeeze3A_527 : i32 to vector<16xi32>
    %ge3A_529 = arith.cmpi sge, %add3A_503, %ge3A_528 : vector<16xi32>
    %jit3A_530 = arith.constant 1 : i32
    %jit3A_531 = arith.constant 0 : i32
    %broadcast_in_dim3A_532 = vector.broadcast %jit3A_530 : i32 to vector<16xi32>
    %broadcast_in_dim3A_533 = vector.broadcast %jit3A_531 : i32 to vector<16xi32>
    %select_n3A_534 = arith.select %ge3A_529, %broadcast_in_dim3A_532, %broadcast_in_dim3A_533 : vector<16xi1>, vector<16xi32>
    %add3A_535 = arith.addi %add3A_525, %select_n3A_534 : vector<16xi32>
    %slice3A_536 = vector.extract_strided_slice %add3A_169 {offsets = [3], sizes = [1], strides = [1]} : vector<16xi32> to vector<1xi32>
    %squeeze3A_537 = vector.extract %slice3A_536[0] : i32 from vector<1xi32>
    %ge3A_538 = vector.broadcast %squeeze3A_537 : i32 to vector<16xi32>
    %ge3A_539 = arith.cmpi sge, %add3A_503, %ge3A_538 : vector<16xi32>
    %jit3A_540 = arith.constant 1 : i32
    %jit3A_541 = arith.constant 0 : i32
    %broadcast_in_dim3A_542 = vector.broadcast %jit3A_540 : i32 to vector<16xi32>
    %broadcast_in_dim3A_543 = vector.broadcast %jit3A_541 : i32 to vector<16xi32>
    %select_n3A_544 = arith.select %ge3A_539, %broadcast_in_dim3A_542, %broadcast_in_dim3A_543 : vector<16xi1>, vector<16xi32>
    %add3A_545 = arith.addi %add3A_535, %select_n3A_544 : vector<16xi32>
    %slice3A_546 = vector.extract_strided_slice %add3A_169 {offsets = [4], sizes = [1], strides = [1]} : vector<16xi32> to vector<1xi32>
    %squeeze3A_547 = vector.extract %slice3A_546[0] : i32 from vector<1xi32>
    %ge3A_548 = vector.broadcast %squeeze3A_547 : i32 to vector<16xi32>
    %ge3A_549 = arith.cmpi sge, %add3A_503, %ge3A_548 : vector<16xi32>
    %jit3A_550 = arith.constant 1 : i32
    %jit3A_551 = arith.constant 0 : i32
    %broadcast_in_dim3A_552 = vector.broadcast %jit3A_550 : i32 to vector<16xi32>
    %broadcast_in_dim3A_553 = vector.broadcast %jit3A_551 : i32 to vector<16xi32>
    %select_n3A_554 = arith.select %ge3A_549, %broadcast_in_dim3A_552, %broadcast_in_dim3A_553 : vector<16xi1>, vector<16xi32>
    %add3A_555 = arith.addi %add3A_545, %select_n3A_554 : vector<16xi32>
    %slice3A_556 = vector.extract_strided_slice %add3A_169 {offsets = [5], sizes = [1], strides = [1]} : vector<16xi32> to vector<1xi32>
    %squeeze3A_557 = vector.extract %slice3A_556[0] : i32 from vector<1xi32>
    %ge3A_558 = vector.broadcast %squeeze3A_557 : i32 to vector<16xi32>
    %ge3A_559 = arith.cmpi sge, %add3A_503, %ge3A_558 : vector<16xi32>
    %jit3A_560 = arith.constant 1 : i32
    %jit3A_561 = arith.constant 0 : i32
    %broadcast_in_dim3A_562 = vector.broadcast %jit3A_560 : i32 to vector<16xi32>
    %broadcast_in_dim3A_563 = vector.broadcast %jit3A_561 : i32 to vector<16xi32>
    %select_n3A_564 = arith.select %ge3A_559, %broadcast_in_dim3A_562, %broadcast_in_dim3A_563 : vector<16xi1>, vector<16xi32>
    %add3A_565 = arith.addi %add3A_555, %select_n3A_564 : vector<16xi32>
    %slice3A_566 = vector.extract_strided_slice %add3A_169 {offsets = [6], sizes = [1], strides = [1]} : vector<16xi32> to vector<1xi32>
    %squeeze3A_567 = vector.extract %slice3A_566[0] : i32 from vector<1xi32>
    %ge3A_568 = vector.broadcast %squeeze3A_567 : i32 to vector<16xi32>
    %ge3A_569 = arith.cmpi sge, %add3A_503, %ge3A_568 : vector<16xi32>
    %jit3A_570 = arith.constant 1 : i32
    %jit3A_571 = arith.constant 0 : i32
    %broadcast_in_dim3A_572 = vector.broadcast %jit3A_570 : i32 to vector<16xi32>
    %broadcast_in_dim3A_573 = vector.broadcast %jit3A_571 : i32 to vector<16xi32>
    %select_n3A_574 = arith.select %ge3A_569, %broadcast_in_dim3A_572, %broadcast_in_dim3A_573 : vector<16xi1>, vector<16xi32>
    %add3A_575 = arith.addi %add3A_565, %select_n3A_574 : vector<16xi32>
    %slice3A_576 = vector.extract_strided_slice %add3A_169 {offsets = [7], sizes = [1], strides = [1]} : vector<16xi32> to vector<1xi32>
    %squeeze3A_577 = vector.extract %slice3A_576[0] : i32 from vector<1xi32>
    %ge3A_578 = vector.broadcast %squeeze3A_577 : i32 to vector<16xi32>
    %ge3A_579 = arith.cmpi sge, %add3A_503, %ge3A_578 : vector<16xi32>
    %jit3A_580 = arith.constant 1 : i32
    %jit3A_581 = arith.constant 0 : i32
    %broadcast_in_dim3A_582 = vector.broadcast %jit3A_580 : i32 to vector<16xi32>
    %broadcast_in_dim3A_583 = vector.broadcast %jit3A_581 : i32 to vector<16xi32>
    %select_n3A_584 = arith.select %ge3A_579, %broadcast_in_dim3A_582, %broadcast_in_dim3A_583 : vector<16xi1>, vector<16xi32>
    %add3A_585 = arith.addi %add3A_575, %select_n3A_584 : vector<16xi32>
    %gather3A_586 = tpu.vector_load_idx %arg7[%add3A_585] : memref<16xi32, #tpu.memory_space<vmem>>[vector<16xi32>], vector<16xi32>,
    %add3A_587 = arith.addi %add3A_503, %gather3A_586 : vector<16xi32>
    %slice3A_588 = vector.extract_strided_slice %add3A_587 {offsets = [0], sizes = [1], strides = [1]} : vector<16xi32> to vector<1xi32>
    %squeeze3A_589 = vector.extract %slice3A_588[0] : i32 from vector<1xi32>
    %multiple_of3A_590 = tpu.assume_multiple %squeeze3A_589, 16 : i32
    %dma_start3A = arith.constant 0 : i32
    %dma_start3A_591 = tpu.memref_slice %arg2[%multiple_of3A, %dma_start3A] : memref<16384x2048xf32, #tpu.memory_space<hbm>> -> memref<16x2048xf32, #tpu.memory_space<hbm>>
    %dma_start3A_592 = arith.constant 0 : i32
    %dma_start3A_593 = tpu.memref_slice %arg2[%multiple_of3A, %dma_start3A_592] : memref<16384x2048xf32, #tpu.memory_space<hbm>> -> memref<16x2048xf32, #tpu.memory_space<hbm>>
    tpu.enqueue_dma source(%dma_start3A_593 : memref<16x2048xf32, #tpu.memory_space<hbm>>) target(%arg8 : memref<16x2048xf32, #tpu.memory_space<vmem>>) target_semaphore(%arg11 : memref<!tpu.dma_semaphore, #tpu.memory_space<semaphore_mem>>)
    %dma_start3A_594 = arith.constant 0 : i32
    %dma_start3A_595 = tpu.memref_slice %arg2[%multiple_of3A_380, %dma_start3A_594] : memref<16384x2048xf32, #tpu.memory_space<hbm>> -> memref<16x2048xf32, #tpu.memory_space<hbm>>
    %dma_start3A_596 = arith.constant 0 : i32
    %dma_start3A_597 = tpu.memref_slice %arg2[%multiple_of3A_380, %dma_start3A_596] : memref<16384x2048xf32, #tpu.memory_space<hbm>> -> memref<16x2048xf32, #tpu.memory_space<hbm>>
    tpu.enqueue_dma source(%dma_start3A_597 : memref<16x2048xf32, #tpu.memory_space<hbm>>) target(%arg9 : memref<16x2048xf32, #tpu.memory_space<vmem>>) target_semaphore(%arg12 : memref<!tpu.dma_semaphore, #tpu.memory_space<semaphore_mem>>)
    %dma_start3A_598 = arith.constant 0 : i32
    %dma_start3A_599 = tpu.memref_slice %arg2[%multiple_of3A_485, %dma_start3A_598] : memref<16384x2048xf32, #tpu.memory_space<hbm>> -> memref<16x2048xf32, #tpu.memory_space<hbm>>
    %dma_start3A_600 = arith.constant 0 : i32
    %dma_start3A_601 = tpu.memref_slice %arg2[%multiple_of3A_485, %dma_start3A_600] : memref<16384x2048xf32, #tpu.memory_space<hbm>> -> memref<16x2048xf32, #tpu.memory_space<hbm>>
    tpu.enqueue_dma source(%dma_start3A_601 : memref<16x2048xf32, #tpu.memory_space<hbm>>) target(%arg10 : memref<16x2048xf32, #tpu.memory_space<vmem>>) target_semaphore(%arg13 : memref<!tpu.dma_semaphore, #tpu.memory_space<semaphore_mem>>)
    %dma_wait3A = arith.constant 0 : i32
    %dma_wait3A_602 = tpu.memref_slice %arg2[%multiple_of3A, %dma_wait3A] : memref<16384x2048xf32, #tpu.memory_space<hbm>> -> memref<16x2048xf32, #tpu.memory_space<hbm>>
    %dma_wait3A_603 = arith.constant 0 : i32
    %dma_wait3A_604 = tpu.memref_slice %arg2[%multiple_of3A, %dma_wait3A_603] : memref<16384x2048xf32, #tpu.memory_space<hbm>> -> memref<16x2048xf32, #tpu.memory_space<hbm>>
    tpu.wait_dma2 semaphore(%arg11 : memref<!tpu.dma_semaphore, #tpu.memory_space<semaphore_mem>>) src(%dma_wait3A_604 : memref<16x2048xf32, #tpu.memory_space<hbm>>) dst(%arg8 : memref<16x2048xf32, #tpu.memory_space<vmem>>)
    %add3A_605 = arith.constant 0 : i32
    %add3A_606 = arith.addi %mul3A_2, %add3A_605 : i32
    %dma_start3A_607 = arith.constant 0 : i32
    %dma_start3A_608 = tpu.memref_slice %arg4[%add3A_606, %dma_start3A_607] : memref<2048x2048xf32, #tpu.memory_space<hbm>> -> memref<16x2048xf32, #tpu.memory_space<hbm>>
    %dma_start3A_609 = arith.constant 0 : i32
    %dma_start3A_610 = tpu.memref_slice %arg4[%add3A_606, %dma_start3A_609] : memref<2048x2048xf32, #tpu.memory_space<hbm>> -> memref<16x2048xf32, #tpu.memory_space<hbm>>
    tpu.enqueue_dma source(%arg8 : memref<16x2048xf32, #tpu.memory_space<vmem>>) target(%dma_start3A_610 : memref<16x2048xf32, #tpu.memory_space<hbm>>) target_semaphore(%arg14 : memref<!tpu.dma_semaphore, #tpu.memory_space<semaphore_mem>>)
    %dma_wait3A_611 = arith.constant 0 : i32
    %dma_wait3A_612 = tpu.memref_slice %arg4[%add3A_606, %dma_wait3A_611] : memref<2048x2048xf32, #tpu.memory_space<hbm>> -> memref<16x2048xf32, #tpu.memory_space<hbm>>
    %dma_wait3A_613 = arith.constant 0 : i32
    %dma_wait3A_614 = tpu.memref_slice %arg4[%add3A_606, %dma_wait3A_613] : memref<2048x2048xf32, #tpu.memory_space<hbm>> -> memref<16x2048xf32, #tpu.memory_space<hbm>>
    tpu.wait_dma2 semaphore(%arg14 : memref<!tpu.dma_semaphore, #tpu.memory_space<semaphore_mem>>) src(%arg8 : memref<16x2048xf32, #tpu.memory_space<vmem>>) dst(%dma_wait3A_614 : memref<16x2048xf32, #tpu.memory_space<hbm>>)
    %dma_start3A_615 = arith.constant 0 : i32
    %dma_start3A_616 = tpu.memref_slice %arg2[%multiple_of3A_590, %dma_start3A_615] : memref<16384x2048xf32, #tpu.memory_space<hbm>> -> memref<16x2048xf32, #tpu.memory_space<hbm>>
    %dma_start3A_617 = arith.constant 0 : i32
    %dma_start3A_618 = tpu.memref_slice %arg2[%multiple_of3A_590, %dma_start3A_617] : memref<16384x2048xf32, #tpu.memory_space<hbm>> -> memref<16x2048xf32, #tpu.memory_space<hbm>>
    tpu.enqueue_dma source(%dma_start3A_618 : memref<16x2048xf32, #tpu.memory_space<hbm>>) target(%arg8 : memref<16x2048xf32, #tpu.memory_space<vmem>>) target_semaphore(%arg11 : memref<!tpu.dma_semaphore, #tpu.memory_space<semaphore_mem>>)
    %dma_wait3A_619 = arith.constant 0 : i32
    %dma_wait3A_620 = tpu.memref_slice %arg2[%multiple_of3A_380, %dma_wait3A_619] : memref<16384x2048xf32, #tpu.memory_space<hbm>> -> memref<16x2048xf32, #tpu.memory_space<hbm>>
    %dma_wait3A_621 = arith.constant 0 : i32
    %dma_wait3A_622 = tpu.memref_slice %arg2[%multiple_of3A_380, %dma_wait3A_621] : memref<16384x2048xf32, #tpu.memory_space<hbm>> -> memref<16x2048xf32, #tpu.memory_space<hbm>>
    tpu.wait_dma2 semaphore(%arg12 : memref<!tpu.dma_semaphore, #tpu.memory_space<semaphore_mem>>) src(%dma_wait3A_622 : memref<16x2048xf32, #tpu.memory_space<hbm>>) dst(%arg9 : memref<16x2048xf32, #tpu.memory_space<vmem>>)
    %add3A_623 = arith.constant 16 : i32
    %add3A_624 = arith.addi %mul3A_2, %add3A_623 : i32
    %dma_start3A_625 = arith.constant 0 : i32
    %dma_start3A_626 = tpu.memref_slice %arg4[%add3A_624, %dma_start3A_625] : memref<2048x2048xf32, #tpu.memory_space<hbm>> -> memref<16x2048xf32, #tpu.memory_space<hbm>>
    %dma_start3A_627 = arith.constant 0 : i32
    %dma_start3A_628 = tpu.memref_slice %arg4[%add3A_624, %dma_start3A_627] : memref<2048x2048xf32, #tpu.memory_space<hbm>> -> memref<16x2048xf32, #tpu.memory_space<hbm>>
    tpu.enqueue_dma source(%arg9 : memref<16x2048xf32, #tpu.memory_space<vmem>>) target(%dma_start3A_628 : memref<16x2048xf32, #tpu.memory_space<hbm>>) target_semaphore(%arg15 : memref<!tpu.dma_semaphore, #tpu.memory_space<semaphore_mem>>)
    %dma_wait3A_629 = arith.constant 0 : i32
    %dma_wait3A_630 = tpu.memref_slice %arg2[%multiple_of3A_485, %dma_wait3A_629] : memref<16384x2048xf32, #tpu.memory_space<hbm>> -> memref<16x2048xf32, #tpu.memory_space<hbm>>
    %dma_wait3A_631 = arith.constant 0 : i32
    %dma_wait3A_632 = tpu.memref_slice %arg2[%multiple_of3A_485, %dma_wait3A_631] : memref<16384x2048xf32, #tpu.memory_space<hbm>> -> memref<16x2048xf32, #tpu.memory_space<hbm>>
    tpu.wait_dma2 semaphore(%arg13 : memref<!tpu.dma_semaphore, #tpu.memory_space<semaphore_mem>>) src(%dma_wait3A_632 : memref<16x2048xf32, #tpu.memory_space<hbm>>) dst(%arg10 : memref<16x2048xf32, #tpu.memory_space<vmem>>)
    %add3A_633 = arith.constant 32 : i32
    %add3A_634 = arith.addi %mul3A_2, %add3A_633 : i32
    %dma_start3A_635 = arith.constant 0 : i32
    %dma_start3A_636 = tpu.memref_slice %arg4[%add3A_634, %dma_start3A_635] : memref<2048x2048xf32, #tpu.memory_space<hbm>> -> memref<16x2048xf32, #tpu.memory_space<hbm>>
    %dma_start3A_637 = arith.constant 0 : i32
    %dma_start3A_638 = tpu.memref_slice %arg4[%add3A_634, %dma_start3A_637] : memref<2048x2048xf32, #tpu.memory_space<hbm>> -> memref<16x2048xf32, #tpu.memory_space<hbm>>
    tpu.enqueue_dma source(%arg10 : memref<16x2048xf32, #tpu.memory_space<vmem>>) target(%dma_start3A_638 : memref<16x2048xf32, #tpu.memory_space<hbm>>) target_semaphore(%arg16 : memref<!tpu.dma_semaphore, #tpu.memory_space<semaphore_mem>>)
    %dma_wait3A_639 = arith.constant 0 : i32
    %dma_wait3A_640 = tpu.memref_slice %arg2[%multiple_of3A_590, %dma_wait3A_639] : memref<16384x2048xf32, #tpu.memory_space<hbm>> -> memref<16x2048xf32, #tpu.memory_space<hbm>>
    %dma_wait3A_641 = arith.constant 0 : i32
    %dma_wait3A_642 = tpu.memref_slice %arg2[%multiple_of3A_590, %dma_wait3A_641] : memref<16384x2048xf32, #tpu.memory_space<hbm>> -> memref<16x2048xf32, #tpu.memory_space<hbm>>
    tpu.wait_dma2 semaphore(%arg11 : memref<!tpu.dma_semaphore, #tpu.memory_space<semaphore_mem>>) src(%dma_wait3A_642 : memref<16x2048xf32, #tpu.memory_space<hbm>>) dst(%arg8 : memref<16x2048xf32, #tpu.memory_space<vmem>>)
    %add3A_643 = arith.constant 48 : i32
    %add3A_644 = arith.addi %mul3A_2, %add3A_643 : i32
    %dma_start3A_645 = arith.constant 0 : i32
    %dma_start3A_646 = tpu.memref_slice %arg4[%add3A_644, %dma_start3A_645] : memref<2048x2048xf32, #tpu.memory_space<hbm>> -> memref<16x2048xf32, #tpu.memory_space<hbm>>
    %dma_start3A_647 = arith.constant 0 : i32
    %dma_start3A_648 = tpu.memref_slice %arg4[%add3A_644, %dma_start3A_647] : memref<2048x2048xf32, #tpu.memory_space<hbm>> -> memref<16x2048xf32, #tpu.memory_space<hbm>>
    tpu.enqueue_dma source(%arg8 : memref<16x2048xf32, #tpu.memory_space<vmem>>) target(%dma_start3A_648 : memref<16x2048xf32, #tpu.memory_space<hbm>>) target_semaphore(%arg14 : memref<!tpu.dma_semaphore, #tpu.memory_space<semaphore_mem>>)
    %dma_wait3A_649 = arith.constant 0 : i32
    %dma_wait3A_650 = tpu.memref_slice %arg4[%add3A_624, %dma_wait3A_649] : memref<2048x2048xf32, #tpu.memory_space<hbm>> -> memref<16x2048xf32, #tpu.memory_space<hbm>>
    %dma_wait3A_651 = arith.constant 0 : i32
    %dma_wait3A_652 = tpu.memref_slice %arg4[%add3A_624, %dma_wait3A_651] : memref<2048x2048xf32, #tpu.memory_space<hbm>> -> memref<16x2048xf32, #tpu.memory_space<hbm>>
    tpu.wait_dma2 semaphore(%arg15 : memref<!tpu.dma_semaphore, #tpu.memory_space<semaphore_mem>>) src(%arg9 : memref<16x2048xf32, #tpu.memory_space<vmem>>) dst(%dma_wait3A_652 : memref<16x2048xf32, #tpu.memory_space<hbm>>)
    %dma_wait3A_653 = arith.constant 0 : i32
    %dma_wait3A_654 = tpu.memref_slice %arg4[%add3A_634, %dma_wait3A_653] : memref<2048x2048xf32, #tpu.memory_space<hbm>> -> memref<16x2048xf32, #tpu.memory_space<hbm>>
    %dma_wait3A_655 = arith.constant 0 : i32
    %dma_wait3A_656 = tpu.memref_slice %arg4[%add3A_634, %dma_wait3A_655] : memref<2048x2048xf32, #tpu.memory_space<hbm>> -> memref<16x2048xf32, #tpu.memory_space<hbm>>
    tpu.wait_dma2 semaphore(%arg16 : memref<!tpu.dma_semaphore, #tpu.memory_space<semaphore_mem>>) src(%arg10 : memref<16x2048xf32, #tpu.memory_space<vmem>>) dst(%dma_wait3A_656 : memref<16x2048xf32, #tpu.memory_space<hbm>>)
    %dma_wait3A_657 = arith.constant 0 : i32
    %dma_wait3A_658 = tpu.memref_slice %arg4[%add3A_644, %dma_wait3A_657] : memref<2048x2048xf32, #tpu.memory_space<hbm>> -> memref<16x2048xf32, #tpu.memory_space<hbm>>
    %dma_wait3A_659 = arith.constant 0 : i32
    %dma_wait3A_660 = tpu.memref_slice %arg4[%add3A_644, %dma_wait3A_659] : memref<2048x2048xf32, #tpu.memory_space<hbm>> -> memref<16x2048xf32, #tpu.memory_space<hbm>>
    tpu.wait_dma2 semaphore(%arg14 : memref<!tpu.dma_semaphore, #tpu.memory_space<semaphore_mem>>) src(%arg8 : memref<16x2048xf32, #tpu.memory_space<vmem>>) dst(%dma_wait3A_660 : memref<16x2048xf32, #tpu.memory_space<hbm>>)
    return
  }
}

</mosaic_0001>

<sc_bundles>
// kernel: _dispatch.3.cloned.1.call-start
scs
__scs_entry_jumppad:
0x0: {  	(pc) =	sbr.rel $0x88, $3  }
0x1: {  	(tag) =	ssettag $0x0;
	lr =	simm.s32 $0x1  }
0x2: {  	[smem:$0x3F9F] =	sst lr;
	_ =	strace $0xD0000000  }
0x3: {  	_ = 	snop  }
0x4: {  	_ = 	snop  }
0x5: {  	_ = 	snop  }
0x6: {  	_ = 	snop  }
0x7: {  	_ = 	snop  }
__scs_overlays_trampoline_lowered:
0x8: {  	[smem:$0x3FAE] =	sst s0  }
0x9: {  	[smem:$0x3FAF] =	sst s1  }
0xa: {  	[smem:$0x3FB0] =	sst s2  }
0xb: {  	[smem:$0x3FB1] =	sst s3  }
0xc: {  	[smem:$0x3FB2] =	sst s4  }
0xd: {  	[smem:$0x3FB3] =	sst s5  }
0xe: {  	[smem:$0x3FB4] =	sst s6  }
0xf: {  	[smem:$0x3FB5] =	sst s7  }
0x10: {  	[smem:$0x3FB6] =	sst s8  }
0x11: {  	[smem:$0x3FB7] =	sst s9;
	s0 =	simm.s32 @!p0 $0x0  }
0x12: {  	s1 =	sld [smem:$0x3F9D];
	s0 =	simm.s32 @p0 $0x1  }
0x13: {  	[smem:$0x3FB8] =	sst s0;
	s0 =	simm.s32 @!p1 $0x0  }
0x14: {  	s2 =	sld [smem:$0x3F9C];
	s0 =	simm.s32 @p1 $0x1  }
0x15: {  	[smem:$0x3FB9] =	sst s0;
	s0 =	simm.s32 @!p2 $0x0  }
0x16: {  	s3 =	sld [smem:$0x3FDB];
	s0 =	simm.s32 @p2 $0x1  }
0x17: {  	s4 =	simm.s32 $0x1BF5;
	[smem:$0x3FBB] =	sst s0  }
0x18: {  	s0 =	sld [smem:$0x3F9E];
	_ =	swait.ge [sflag:s4], $0x0  }
0x19: {  	s7 =	sld [smem:$0x3F9F]  }
0x1a: {  	s8 =	sadd.s32 $0xFFFFE003, lr  }
0x1b: {  	s9 =	sadd.s32 $0xFFFFFEF7, lr;
	s5 =	simm.s32 $0xFFFFFFFF;
	p2 =	slt.u32 s8, $0xFFFFF086  }
0x1c: {  	p1 =	slt.u32 s9, $0xF7A;
	s5 =	simm.s32 @!p2 $0x0  }
0x1d: {  	s5 =	simm.s32 @p1 $0x1;
	p0 =	seq.s32 s7, s2  }
0x1e: {  	s7 =	smul.u32 @!p0 $0xF7A, s2;
	p2 =	seq.s32 @!p0 s5, $0x0  }
0x1f: {  	s9 =	smul.u32 $0xF7A, s1;
	s8 =	simm.s32 @!p0 $0x1BF5;
	p2 =	por !p2, p0  }
0x20: {  	[sflag:s8] =	ssyncset.s32 @!p0 $0xFFFFF086;
	s6 =	sadd.s32 @!p0 s3, s7;
	s7 =	simm.s32 @!p0 $0x108  }
0x21: {  	s3 =	sadd.s32 s3, s9;
	s6 =	sadd.s32 @!p0 $0x88, s6;
	s7 =	simm.s32 @p2 $0x1082  }
0x22: {  	[simem:s7], [sflag:s8] =	dma.local @!p0 [hbm:s6], $0xF7A  }
0x23: {  	s9 =	sor.u32 $0xD0000000, s2;
	s6 =	simm.s32 $0x108;
	_ =	swait.ge @!p0 [sflag:s8], $0x0  }
0x24: {  	s3 =	sadd.s32 $0x88, s3;
	s6 =	simm.s32 @!p1 $0x1082;
	[sflag:s4] =	ssyncset.s32 $0xFFFFF086  }
0x25: {  	[simem:s6], [sflag:s4] =	dma.local [hbm:s3], $0xF7A  }
0x26: {  	[smem:$0x3F9F] =	sst s1;
	(tag) =	ssettag s2;
	_ =	strace s9  }
0x27: {  	s1 =	sld [smem:$0x3FAF]  }
0x28: {  	s2 =	sld [smem:$0x3FB0]  }
0x29: {  	s4 =	sld [smem:$0x3FB2]  }
0x2a: {  	p0 =	seq.s32 s5, $0x0;
	s5 =	sld [smem:$0x3FB3]  }
0x2b: {  	s6 =	sld [smem:$0x3FB4]  }
0x2c: {  	s7 =	sld [smem:$0x3FB5]  }
0x2d: {  	s3 =	simm.s32 $0x108;
	s8 =	sld [smem:$0x3FB6]  }
0x2e: {  	s3 =	simm.s32 @!p0 $0x1082;
	s9 =	sld [smem:$0x3FB7]  }
0x2f: {  	lr =	sadd.s32 s0, s3;
	s0 =	sld [smem:$0x3FAE]  }
0x30: {  	s3 =	sld [smem:$0x3FB1]  }
0x31: {  	[smem:$0x3FBA] =	sst s10  }
0x32: {  	s10 =	sld [smem:$0x3FB8];
	_ =	sdelay $0x3  }
0x33: {  	p0 =	seq.s32 s10, $0x1;
	s10 =	sld [smem:$0x3FBA];
	_ =	sdelay $0x3  }
0x34: {  	[smem:$0x3FBA] =	sst s10  }
0x35: {  	s10 =	sld [smem:$0x3FB9];
	_ =	sdelay $0x3  }
0x36: {  	p1 =	seq.s32 s10, $0x1;
	s10 =	sld [smem:$0x3FBA];
	_ =	sdelay $0x3  }
0x37: {  	[smem:$0x3FBA] =	sst s10  }
0x38: {  	s10 =	sld [smem:$0x3FBB]  }
0x39: {  	_ = 	snop;
	(pc) =	sbr.ind lr, $3  }
0x3a: {  	_ = 	snop  }
0x3b: {  	_ = 	snop  }
0x3c: {  	p2 =	seq.s32 s10, $0x1;
	s10 =	sld [smem:$0x3FBA]  }
0x3d: {  	_ =	shalt  }
0x3e: {  	_ =	shalt  }
0x3f: {  	_ =	shalt  }
0x40: {  	_ =	shalt  }
0x41: {  	_ =	shalt  }
0x42: {  	_ =	shalt  }
0x43: {  	_ =	shalt  }
0x44: {  	_ =	shalt  }
0x45: {  	_ =	shalt  }
0x46: {  	_ =	shalt  }
0x47: {  	_ =	shalt  }
0x48: {  	_ =	shalt  }
0x49: {  	_ =	shalt  }
0x4a: {  	_ =	shalt  }
0x4b: {  	_ =	shalt  }
0x4c: {  	_ =	shalt  }
0x4d: {  	_ =	shalt  }
0x4e: {  	_ =	shalt  }
0x4f: {  	_ =	shalt  }
0x50: {  	_ =	shalt  }
0x51: {  	_ =	shalt  }
0x52: {  	_ =	shalt  }
0x53: {  	_ =	shalt  }
0x54: {  	_ =	shalt  }
0x55: {  	_ =	shalt  }
0x56: {  	_ =	shalt  }
0x57: {  	_ =	shalt  }
0x58: {  	_ =	shalt  }
0x59: {  	_ =	shalt  }
0x5a: {  	_ =	shalt  }
0x5b: {  	_ =	shalt  }
0x5c: {  	_ =	shalt  }
0x5d: {  	_ =	shalt  }
0x5e: {  	_ =	shalt  }
0x5f: {  	_ =	shalt  }
0x60: {  	_ =	shalt  }
0x61: {  	_ =	shalt  }
0x62: {  	_ =	shalt  }
0x63: {  	_ =	shalt  }
0x64: {  	_ =	shalt  }
0x65: {  	_ =	shalt  }
0x66: {  	_ =	shalt  }
0x67: {  	_ =	shalt  }
0x68: {  	_ =	shalt  }
0x69: {  	_ =	shalt  }
0x6a: {  	_ =	shalt  }
0x6b: {  	_ =	shalt  }
0x6c: {  	_ =	shalt  }
0x6d: {  	_ =	shalt  }
0x6e: {  	_ =	shalt  }
0x6f: {  	_ =	shalt  }
0x70: {  	_ =	shalt  }
0x71: {  	_ =	shalt  }
0x72: {  	_ =	shalt  }
0x73: {  	_ =	shalt  }
0x74: {  	_ =	shalt  }
0x75: {  	_ =	shalt  }
0x76: {  	_ =	shalt  }
0x77: {  	_ =	shalt  }
0x78: {  	_ =	shalt  }
0x79: {  	_ =	shalt  }
0x7a: {  	_ =	shalt  }
0x7b: {  	_ =	shalt  }
0x7c: {  	_ =	shalt  }
0x7d: {  	_ =	shalt  }
0x7e: {  	_ =	shalt  }
0x7f: {  	_ =	shalt  }
0x80: {  	_ =	shalt  }
0x81: {  	_ =	shalt  }
0x82: {  	_ =	shalt  }
0x83: {  	_ =	shalt  }
0x84: {  	_ =	shalt  }
0x85: {  	_ =	shalt  }
0x86: {  	_ =	shalt  }
0x87: {  	_ =	shalt  }
.Lfunc_end0:
.L_simem_size_0:
called_computation_lowered:
.L_overlay_start_0:
0x88: {  	s2 =	sld [smem:$0x3FD9]  }
0x89: {  	s3 =	sld [smem:$0x3FFE];
	_ =	sdelay $0x1  }
0x8a: {  	s1 =	srdreg.scid  }
0x8b: {  	s0 =	sand.u32 $0x1, s1  }
0x8c: {  	s18 =	sshll.u32 s0, $0xA;
	s2 =	sadd.s32 s3, s2  }
0x8d: {  	s2 =	sadd.s32 s2, s18  }
0x8e: {  	[smem:$0x3FC6] =	sst s2  }
0x8f: {  	_ = 	snop  }
0x90: {  	s2 =	sld [smem:$0x3FC9]  }
0x91: {  	s19 =	sld [smem:$0x3FC8]  }
0x92: {  	s4 =	sld [smem:$0x3FD0];
	(tm) =	ssettm $0x1  }
0x93: {  	s5 =	sld [smem:$0x3FFB];
	_ =	sdelay $0x3  }
0x94: {  	_ =	strace s5  }
0x95: {  	s5 =	sld [smem:$0x3FFC];
	_ =	sdelay $0x3  }
0x96: {  	_ =	strace s5  }
0x97: {  	s5 =	sld [smem:$0x3FFD];
	_ =	sdelay $0x3  }
0x98: {  	_ =	strace s5  }
0x99: {  	_ =	strace $0x8FFFFFFF  }
0x9a: {  	s20 =	sld [smem:$0x3FDB];
	_ =	sdelay $0x1  }
0x9b: {  	s6 =	simm.s32 $_scs_section_size  }
0x9c: {  	s7 =	simm.s32 $_size__tile_overlayer_lowered;
	s8 =	simm.s32 $_tile_overlayer_lowered  }
0x9d: {  	s23 =	simm.s32 $0x1BFF;
	s22 =	sshll.u32 s8, $0x1;
	s5 =	sadd.s32 s6, s20  }
0x9e: {  	s9 =	simm.s32 $0x0;
	s21 =	sshll.u32 s7, $0x1;
	s7 =	sadd.s32 s22, s5  }
0x9f: {  	[timem:s9], [sflag:s23] =	dma.local [hbm:s7], s21  }
0xa0: {  	_ =	swait.ge [sflag:s23], s21  }
0xa1: {  	s6 =	ssub.s32 $0x0, s21;
	[sflag:s23] =	ssyncset.done $0x0  }
0xa2: {  	[sflag:s23] =	ssyncadd.s32 s6;
	_ =	sdelay $0x1  }
0xa3: {  	s24 =	simm.s32 $0x1B8B  }
0xa4: {  	_ =	swait.ge [sflag:s24], $0x1  }
0xa5: {  	[sflag:s24] =	ssyncset.done $0x0  }
0xa6: {  	s25 =	simm.s32 $0x1B8E;
	[sflag:s24] =	ssyncadd.s32 $0xFFFFFFFF  }
0xa7: {  	s26 =	simm.s32 $execute0_lowered;
	[smem:$0x3FD2] =	sst s25  }
0xa8: {  	s6 =	sshll.u32 s26, $0x1;
	_ =	strace $0x80000046;
	[dreg:$0x1] =	wrdreg $0xFFFFFFFF  }
0xa9: {  	s28 =	simm.s32 $_size_execute0_lowered;
	s5 =	sadd.s32 s5, s6;
	[dreg:$0x0] =	wrdreg $0x0  }
0xaa: {  	s6 =	sshll.u32 s28, $0x1;
	[dreg:$0x2] =	wrdreg s5  }
0xab: {  	[dreg:$0x3] =	wrdreg s6  }
0xac: {  	[dreg:$0x4] =	wrdreg $0xC0  }
0xad: {  	_ =	task [dreg:s9], $0x5FFFF  }
0xae: {  	[dreg:$0x1] =	wrdreg $0xFFFFFFFF  }
0xaf: {  	[dreg:$0x0] =	wrdreg $0x60  }
0xb0: {  	[dreg:$0x2] =	wrdreg s2  }
0xb1: {  	[dreg:$0x3] =	wrdreg s19  }
0xb2: {  	[dreg:$0x4] =	wrdreg s4  }
0xb3: {  	[dreg:$0x5] =	wrdreg $0x9  }
0xb4: {  	_ =	task.clear_ibuf [dreg:s9], $0x6FFFF;
	_ =	strace $0x90000046  }
0xb5: {  	s29 =	simm.s32 $0x9;
	_ =	strace $0x80000048  }
0xb6: {  	_ =	swait.ge [sflag:s29], $0x1  }
0xb7: {  	[sflag:s29] =	ssyncadd.s32 $0xFFFFFFFF  }
0xb8: {  	_ =	strace $0x90000048  }
0xb9: {  	_ =	sfence  }
0xba: {  	s30 =	sld [smem:$0x0];
	_ =	sdelay $0x2  }
0xbb: {  	s31 =	sshll.u32 s1, $0xD;
	s1 =	sshrl.u32 s1, $0x2  }
0xbc: {  	s3 =	sand.u32 $0x4000, s31;
	s1 =	sadd.s32 s1, s30  }
0xbd: {  	s0 =	sor.u32 s3, s0;
	s1 =	sshll.u32 s1, $0x11  }
0xbe: {  	s0 =	sor.u32 s1, s0  }
0xbf: {  	s0 =	sadd.s32 $0x8F2B, s0  }
0xc0: {  	[sflag:s0] =	ssyncadd.remote.s32 $0x1  }
0xc1: {  	_ =	sfence.sel $0xFFFF  }
0xc2: {  	[dreg:$0x0] =	wrdreg $0xFFFFFFFF;
	(pc) =	sbr.abs _section_cstart, $3  }
0xc3: {  	[dreg:$0x1] =	wrdreg $0xFFFFFFFF  }
0xc4: {  	_ =	task.clear_ibuf [dreg:s9], $0x2FFFF;
	_ =	strace $0x9FFFFFFF  }
0xc5: {  	(tm) =	ssettm $0x7FFFFFFF  }
tec
execute0_lowered:
.L_overlay_start_1:
0x0: {  	(tag) =	ssettag $0x1  }
0x1: {  	s2 =	rddreg [dreg:$0x0]  }
0x2: {  	s0 =	rddreg [dreg:$0x1]  }
0x3: {  	s9 =	rddreg [dreg:$0x2]  }
0x4: {  	s1 =	simm.s32 $0x0;
	[dreg:$0x4] =	wrdreg s0  }
0x5: {  	[smem:$0x7FF] =	sst s1  }
0x6: {  	s0 =	rddreg [dreg:$0x3];
	_ =	strace $0x80000047  }
0x7: {  	s3 =	simm.s32 $0x7;
	s4 =	rddreg [dreg:$0x4]  }
0x8: {  	[tilespmem:s1], [sflag:$0x7] =	stream.linear.gather [hbm4b:s4+s1], $0x80, $0x38;
	[tilespmem:$0x18180] =	vst v63  }
0x9: {  	_ =	swait.ge [sflag:s3], $0x80  }
0xa: {  	[sflag:s3] =	ssyncset.done $0x0  }
0xb: {  	[sflag:s3] =	ssyncadd.s32 $0xFFFFFF80  }
0xc: {  	v0 =	vld [tilespmem:$0x0];
	_ =	sdelay $0x2  }
0xd: {  	v8 =	vlaneseq.u32;
	vm0 =	vmmov $0xff;
	vm1 =	vcmask $0x3F08  }
0xe: {  	vm2 =	vcmask $0x3F0C;
	vm3 =	vcmask $0x3F10;
	vm4 =	vcmask $0x3F14  }
0xf: {  	vm5 =	vcmask $0x3F18;
	v1 =	vbroadcast v0, $0x0;
	v2 =	vbroadcast v0, $0x1  }
0x10: {  	vm6 =	veq.s32 v8, $0x0;
	v3 =	vld [tilespmem:$0x8];
	v4 =	vbroadcast v0, $0x2;
	v5 =	vbroadcast v0, $0x5  }
0x11: {  	v6 =	vbroadcast v0, $0x3;
	v2 =	vsel vm6, $0x0, v2;
	v1 =	vsub.s32 v1, v0  }
0x12: {  	v7 =	vbroadcast v0, $0x4;
	v4 =	vnsel vm1, $0x0, v4;
	v1 =	vadd.s32 v2, v1  }
0x13: {  	v2 =	vnsel vm4, $0x0, v5;
	v5 =	vnsel vm2, $0x0, v6;
	v1 =	vadd.s32 v4, v1  }
0x14: {  	v6 =	vnsel vm3, $0x0, v7;
	v4 =	vbroadcast v0, $0x6;
	v1 =	vadd.s32 v5, v1  }
0x15: {  	v3 =	vnsel vm0, $0x0, v3;
	v0 =	vbroadcast v0, $0x7;
	v1 =	vadd.s32 v6, v1  }
0x16: {  	vm7 =	vcmask $0x3F1C;
	v4 =	vnsel vm5, $0x0, v4;
	v1 =	vadd.s32 v2, v1  }
0x17: {  	v0 =	vnsel vm7, $0x0, v0;
	v1 =	vadd.s32 v4, v1  }
0x18: {  	v0 =	vadd.s32 v0, v1  }
0x19: {  	s5 =	srdreg.scid;
	[tilespmem:$0x80] =	vst v0  }
0x1a: {  	s7 =	sand.u32 $0x1, s5;
	s4 =	stileid.u32;
	v4 =	vld.idx.msk [tilespmem:v3+s1+$0x0], $0xffff  }
0x1b: {  	s6 =	sshll.u32 s7, $0x6;
	s22 =	sshll.u32 s4, $0x7  }
0x1c: {  	s8 =	sor.u32 s6, s22  }
0x1d: {  	s10 =	sor.u32 $0x10, s8  }
0x1e: {  	v1 =	vmov s10;
	v0 =	vmov s8  }
0x1f: {  	v1 =	vshrl.u32 v1, $0x8;
	v0 =	vshrl.u32 v0, $0x8;
	v2 =	vbroadcast v4, $0x1  }
0x20: {  	v1 =	vor.u32 $0x10, v1;
	v5 =	vbroadcast v4, $0x2;
	v6 =	vbroadcast v4, $0x0  }
0x21: {  	v0 =	vor.u32 $0x10, v0;
	v7 =	vbroadcast v4, $0x3;
	v2 =	vsel vm6, $0x0, v2  }
0x22: {  	s5 =	simm.s32 $0x80;
	v9 =	vbroadcast v4, $0x4;
	v5 =	vnsel vm1, $0x0, v5;
	v2 =	vadd.s32 v6, v2  }
0x23: {  	v3 =	vld.idx.msk [tilespmem:v3+s5+$0x0], $0xffff;
	v6 =	vbroadcast v4, $0x5;
	v2 =	vadd.s32 v5, v2;
	v5 =	vnsel vm2, $0x0, v7  }
0x24: {  	v7 =	vbroadcast v4, $0x6;
	v2 =	vadd.s32 v5, v2;
	v5 =	vnsel vm3, $0x0, v9  }
0x25: {  	s12 =	sor.u32 $0x20, s8;
	v9 =	vbroadcast v4, $0x7;
	v2 =	vadd.s32 v5, v2;
	v5 =	vnsel vm4, $0x0, v6  }
0x26: {  	v6 =	vmov s12;
	v2 =	vadd.s32 v5, v2;
	v5 =	vnsel vm5, $0x0, v7  }
0x27: {  	v6 =	vshrl.u32 v6, $0x8;
	v7 =	vnsel vm7, $0x0, v9;
	v5 =	vadd.s32 v5, v2  }
0x28: {  	v3 =	vadd.s32 v4, v3;
	v2 =	vor.u32 $0x10, v6;
	v9 =	vadd.s32 v7, v5  }
0x29: {  	v3 =	vsub.s32 v3, v9  }
0x2a: {  	s13 =	sor.u32 $0x30, s8;
	[tilespmem:$0x100] =	vst v3  }
0x2b: {  	v4 =	vor.u32 s8, v8;
	v6 =	vmov s13;
	v5 =	vor.u32 s12, v8;
	v10 =	vld.idx.msk [tilespmem:v0+s1+$0x0], $0xffff  }
0x2c: {  	v6 =	vshrl.u32 v6, $0x8;
	v13 =	vbroadcast v9, $0x4;
	v14 =	vbroadcast v9, $0x6;
	v11 =	vld.idx.msk [tilespmem:v1+s1+$0x0], $0xffff  }
0x2d: {  	v7 =	vimm.s32 $0x0;
	v15 =	vbroadcast v9, $0x7;
	v16 =	vbroadcast v9, $0x2;
	v12 =	vld.idx.msk [tilespmem:v2+s1+$0x0], $0xffff  }
0x2e: {  	v5 =	vand.u32 $0xEF, v5;
	v17 =	vbroadcast v9, $0x5;
	v18 =	vbroadcast v9, $0x0  }
0x2f: {  	v6 =	vor.u32 $0x10, v6;
	v19 =	vbroadcast v9, $0x1;
	v9 =	vbroadcast v9, $0x3  }
0x30: {  	v3 =	vand.u32 $0xCF, v4;
	v4 =	vor.u32 s10, v8;
	v10 =	vshll.u32 v10, $0x8  }
0x31: {  	v4 =	vand.u32 $0xDF, v4;
	v11 =	vshll.u32 v11, $0x8;
	v10 =	vor.u32 v3, v10  }
0x32: {  	v12 =	vshll.u32 v12, $0x8;
	v11 =	vor.u32 v4, v11;
	vm8 =	vge.s32 v10, v18  }
0x33: {  	vm9 =	vge.s32 v10, v19;
	v12 =	vor.u32 v5, v12;
	vm10 =	vge.s32 v10, v13  }
0x34: {  	vm11 =	vge.s32 v10, v14;
	vm12 =	vge.s32 v11, v16;
	vm15 =	vge.s32 v11, v18  }
0x35: {  	v20 =	vsel vm8, $0x1, v7;
	v21 =	vsel vm9, $0x1, v7;
	vm8 =	vge.s32 v10, v16  }
0x36: {  	vm9 =	vge.s32 v10, v9;
	v23 =	vsel vm11, $0x1, v7;
	v24 =	vsel vm10, $0x1, v7  }
0x37: {  	v26 =	vsel vm15, $0x1, v7;
	v27 =	vsel vm12, $0x1, v7;
	vm10 =	vge.s32 v11, v19  }
0x38: {  	vm11 =	vge.s32 v11, v9;
	vm12 =	vge.s32 v11, v13;
	vm13 =	vge.s32 v12, v19  }
0x39: {  	v20 =	vadd.s32 v21, v20;
	v42 =	vsel vm8, $0x1, v7;
	vm8 =	vge.s32 v10, v17  }
0x3a: {  	v22 =	vsel vm9, $0x1, v7;
	vm9 =	vge.s32 v11, v14;
	v28 =	vsel vm10, $0x1, v7  }
0x3b: {  	vm10 =	vge.s32 v12, v18;
	v46 =	vsel vm11, $0x1, v7;
	v48 =	vsel vm12, $0x1, v7  }
0x3c: {  	vm12 =	vge.s32 v12, v16;
	v52 =	vsel vm13, $0x1, v7;
	v20 =	vadd.s32 v42, v20  }
0x3d: {  	v43 =	vsel vm8, $0x1, v7;
	vm8 =	vge.s32 v10, v15;
	v44 =	vadd.s32 v28, v26  }
0x3e: {  	v47 =	vsel vm9, $0x1, v7;
	v51 =	vsel vm10, $0x1, v7;
	v53 =	vsel vm12, $0x1, v7  }
0x3f: {  	v25 =	vsel vm8, $0x1, v7;
	vm8 =	vge.s32 v11, v17;
	v20 =	vadd.s32 v22, v20  }
0x40: {  	v22 =	vadd.s32 v27, v44;
	v45 =	vsel vm8, $0x1, v7;
	v20 =	vadd.s32 v24, v20  }
0x41: {  	v22 =	vadd.s32 v46, v22;
	vm8 =	vge.s32 v11, v15;
	v20 =	vadd.s32 v43, v20  }
0x42: {  	v49 =	vadd.s32 v48, v22;
	v50 =	vsel vm8, $0x1, v7;
	v22 =	vadd.s32 v52, v51  }
0x43: {  	vm8 =	vge.s32 v12, v9;
	v20 =	vadd.s32 v23, v20;
	v21 =	vadd.s32 v45, v49  }
0x44: {  	v22 =	vadd.s32 v53, v22;
	v20 =	vadd.s32 v25, v20;
	v21 =	vadd.s32 v47, v21  }
0x45: {  	v54 =	vsel vm8, $0x1, v7;
	vm8 =	vge.s32 v12, v13;
	v21 =	vadd.s32 v50, v21  }
0x46: {  	v22 =	vadd.s32 v54, v22;
	v55 =	vsel vm8, $0x1, v7;
	vm8 =	vge.s32 v12, v17  }
0x47: {  	v22 =	vadd.s32 v55, v22;
	v56 =	vsel vm8, $0x1, v7;
	vm8 =	vge.s32 v12, v14  }
0x48: {  	s6 =	simm.s32 $0x100;
	v22 =	vadd.s32 v56, v22;
	v57 =	vsel vm8, $0x1, v7;
	vm8 =	vge.s32 v12, v15  }
0x49: {  	v22 =	vadd.s32 v57, v22;
	v58 =	vsel vm8, $0x1, v7;
	v20 =	vld.idx.msk [tilespmem:v20+s6+$0x0], $0xffff  }
0x4a: {  	v22 =	vadd.s32 v58, v22;
	v21 =	vld.idx.msk [tilespmem:v21+s6+$0x0], $0xffff;
	_ =	sdelay $0x1  }
0x4b: {  	v59 =	vld.idx.msk [tilespmem:v6+s1+$0x0], $0xffff;
	_ =	sdelay $0x1  }
0x4c: {  	v10 =	vadd.s32 v20, v10  }
0x4d: {  	v11 =	vadd.s32 v21, v11;
	(v2sf) =	vpush v10, $0x0;
	v10 =	vld.idx.msk [tilespmem:v22+s6+$0x0], $0xffff  }
0x4e: {  	v8 =	vor.u32 s13, v8;
	(v2sf) =	vpush v11, $0x0  }
0x4f: {  	v8 =	vand.u32 $0xFF, v8;
	v60 =	vshll.u32 v59, $0x8  }
0x50: {  	v11 =	vor.u32 v8, v60  }
0x51: {  	vm8 =	vge.s32 v11, v18;
	vm14 =	vge.s32 v11, v19  }
0x52: {  	v61 =	vsel vm8, $0x1, v7;
	vm8 =	vge.s32 v11, v9;
	v9 =	vadd.s32 v10, v12  }
0x53: {  	vm15 =	vge.s32 v11, v16;
	v62 =	vsel vm14, $0x1, v7;
	(v2sf) =	vpush v9, $0x0  }
0x54: {  	v63 =	vsel vm15, $0x1, v7;
	v10 =	vadd.s32 v62, v61  }
0x55: {  	v9 =	vadd.s32 v63, v10;
	v10 =	vsel vm8, $0x1, v7;
	vm8 =	vge.s32 v11, v13  }
0x56: {  	v9 =	vadd.s32 v10, v9;
	v10 =	vsel vm8, $0x1, v7;
	vm8 =	vge.s32 v11, v17  }
0x57: {  	v9 =	vadd.s32 v10, v9;
	v10 =	vsel vm8, $0x1, v7;
	vm8 =	vge.s32 v11, v14  }
0x58: {  	v9 =	vadd.s32 v10, v9;
	v10 =	vsel vm8, $0x1, v7;
	vm8 =	vge.s32 v11, v15  }
0x59: {  	s7 =	ssub.s32 $0x2, s7;
	v9 =	vadd.s32 v10, v9;
	v10 =	vsel vm8, $0x1, v7  }
0x5a: {  	s19 =	simm.s32 $0x2;
	s11 =	sshrl.u32 s7, $0x1;
	v9 =	vadd.s32 v10, v9  }
0x5b: {  	s18 =	simm.s32 $0x3;
	s17 =	simm.s32 $0x6;
	s14 =	ssub.s32 s7, s11  }
0x5c: {  	s7 =	simm.s32 $0x180;
	s20 =	smax.u32 s14, $0x1;
	s25 =	spop (v2sf)  }
0x5d: {  	s14 =	simm.s32 $0x1;
	s28 =	sshll.u32 s25, $0x8;
	s15 =	spop (v2sf)  }
0x5e: {  	s26 =	sshll.u32 s12, $0x8;
	s12 =	sadd.s32 s2, s28;
	s15 =	sshll.u32 s15, $0x8  }
0x5f: {  	v9 =	vld.idx.msk [tilespmem:v9+s6+$0x0], $0xffff;
	[tilespmem:s7], [sflag:$0x1] =	stream.linear.gather [hbm4b:s12+s1], $0x8000, $0x38  }
0x60: {  	s16 =	sshll.u32 s13, $0x8;
	s13 =	simm.s32 $0x8180;
	s29 =	sadd.s32 s2, s15  }
0x61: {  	[tilespmem:s13], [sflag:$0x2] =	stream.linear.gather [hbm4b:s29+s1], $0x8000, $0x38;
	[tilespmem:$0x18180] =	vst v63  }
0x62: {  	p0 =	sne.s32 s20, $0x1;
	s23 =	sshll.u32 s8, $0x8;
	s30 =	spop (v2sf)  }
0x63: {  	s24 =	sshll.u32 s10, $0x8;
	s10 =	sadd.s32 s9, s16;
	s31 =	sshll.u32 s30, $0x8  }
.Ltmp0:
0x64: {  	s15 =	simm.s32 $0x10180;
	v9 =	vadd.s32 v9, v11;
	s16 =	sadd.s32 s2, s31;
	(pc) =	sbr.rel @!p0 .LBB2_2-.Ltmp0, $4  }
0x65: {  	(v2sf) =	vpush v9, $0x0;
	[tilespmem:s15], [sflag:$0x3] =	stream.linear.gather [hbm4b:s16+s1], $0x8000, $0x38;
	[tilespmem:$0x18180] =	vst v63  }
0x66: {  	s20 =	sadd.s32 $0xFFFFFFFF, s20;
	s11 =	sadd.s32 s9, s23;
	_ =	swait.ge [sflag:s14], $0x8000  }
0x67: {  	s8 =	sadd.s32 s9, s24;
	s12 =	sadd.s32 s9, s26;
	[sflag:s14] =	ssyncset.done $0x0  }
0x68: {  	s9 =	simm.s32 $0x4;
	s16 =	simm.s32 $0x5;
	[sflag:s14] =	ssyncadd.s32 $0xFFFF8000  }
.LBB2_1:
0x69: {  	_ =	sdelay $0x8  }
0x6a: {  	[hbm4b:s11+s1] =	stream.linear.scatter [tilespmem:s7], [sflag:$0x4], $0x8000, $0x38;
	[tilespmem:$0x18180] =	vst v63  }
0x6b: {  	_ =	swait.ge [sflag:s9], $0x8000  }
0x6c: {  	s21 =	spop (v2sf)  }
0x6d: {  	[sflag:s9] =	ssyncset.done $0x0;
	s21 =	sshll.u32 s21, $0x8  }
0x6e: {  	[sflag:s9] =	ssyncadd.s32 $0xFFFF8000;
	s21 =	sadd.s32 s2, s21  }
0x6f: {  	[tilespmem:s7], [sflag:$0x1] =	stream.linear.gather [hbm4b:s21+s1], $0x8000, $0x38;
	[tilespmem:$0x18180] =	vst v63  }
0x70: {  	_ =	swait.ge [sflag:s19], $0x8000  }
0x71: {  	[sflag:s19] =	ssyncset.done $0x0  }
0x72: {  	[sflag:s19] =	ssyncadd.s32 $0xFFFF8000  }
0x73: {  	[hbm4b:s8+s1] =	stream.linear.scatter [tilespmem:s13], [sflag:$0x5], $0x8000, $0x38;
	[tilespmem:$0x18180] =	vst v63  }
0x74: {  	_ =	swait.ge [sflag:s18], $0x8000  }
0x75: {  	[sflag:s18] =	ssyncset.done $0x0  }
0x76: {  	[sflag:s18] =	ssyncadd.s32 $0xFFFF8000  }
0x77: {  	[hbm4b:s12+s1] =	stream.linear.scatter [tilespmem:s15], [sflag:$0x6], $0x8000, $0x38;
	[tilespmem:$0x18180] =	vst v63  }
0x78: {  	_ =	swait.ge [sflag:s14], $0x8000  }
0x79: {  	[sflag:s14] =	ssyncset.done $0x0  }
0x7a: {  	[sflag:s14] =	ssyncadd.s32 $0xFFFF8000  }
0x7b: {  	[hbm4b:s10+s1] =	stream.linear.scatter [tilespmem:s7], [sflag:$0x4], $0x8000, $0x38;
	[tilespmem:$0x18180] =	vst v63  }
0x7c: {  	_ =	swait.ge [sflag:s16], $0x8000  }
0x7d: {  	[sflag:s16] =	ssyncset.done $0x0  }
0x7e: {  	[sflag:s16] =	ssyncadd.s32 $0xFFFF8000  }
0x7f: {  	_ =	swait.ge [sflag:s17], $0x8000  }
0x80: {  	[sflag:s17] =	ssyncset.done $0x0  }
0x81: {  	[sflag:s17] =	ssyncadd.s32 $0xFFFF8000  }
0x82: {  	_ =	swait.ge [sflag:s9], $0x8000  }
0x83: {  	[sflag:s9] =	ssyncset.done $0x0  }
0x84: {  	s28 =	rddreg [dreg:$0x4];
	[sflag:s9] =	ssyncadd.s32 $0xFFFF8000  }
0x85: {  	[tilespmem:s1], [sflag:$0x7] =	stream.linear.gather [hbm4b:s28+s1], $0x80, $0x38;
	[tilespmem:$0x18180] =	vst v63  }
0x86: {  	_ =	swait.ge [sflag:s3], $0x80  }
0x87: {  	[sflag:s3] =	ssyncset.done $0x0  }
0x88: {  	[sflag:s3] =	ssyncadd.s32 $0xFFFFFF80  }
0x89: {  	v9 =	vld [tilespmem:$0x0];
	_ =	sdelay $0x4  }
0x8a: {  	v11 =	vbroadcast v9, $0x2  }
0x8b: {  	v12 =	vbroadcast v9, $0x5;
	v13 =	vbroadcast v9, $0x0  }
0x8c: {  	v14 =	vbroadcast v9, $0x1;
	v15 =	vbroadcast v9, $0x3  }
0x8d: {  	v10 =	vld [tilespmem:$0x8];
	v16 =	vbroadcast v9, $0x4;
	v17 =	vbroadcast v9, $0x6  }
0x8e: {  	v18 =	vbroadcast v9, $0x7;
	v14 =	vsel vm6, $0x0, v14;
	v9 =	vsub.s32 v13, v9  }
0x8f: {  	v11 =	vnsel vm1, $0x0, v11;
	v9 =	vadd.s32 v14, v9  }
0x90: {  	v63 =	vnsel vm2, $0x0, v15;
	v9 =	vadd.s32 v11, v9  }
0x91: {  	v11 =	vnsel vm3, $0x0, v16;
	v9 =	vadd.s32 v63, v9  }
0x92: {  	v10 =	vnsel vm0, $0x0, v10;
	v12 =	vnsel vm4, $0x0, v12;
	v9 =	vadd.s32 v11, v9  }
0x93: {  	v19 =	vnsel vm5, $0x0, v17;
	v9 =	vadd.s32 v12, v9  }
0x94: {  	v20 =	vnsel vm7, $0x0, v18;
	v9 =	vadd.s32 v19, v9  }
0x95: {  	v9 =	vadd.s32 v20, v9  }
0x96: {  	[tilespmem:$0x80] =	vst v9  }
0x97: {  	v9 =	vld.idx.msk [tilespmem:v10+s1+$0x0], $0xffff;
	_ =	sdelay $0x4  }
0x98: {  	v11 =	vbroadcast v9, $0x1  }
0x99: {  	v21 =	vbroadcast v9, $0x2;
	v22 =	vbroadcast v9, $0x0  }
0x9a: {  	v23 =	vbroadcast v9, $0x3;
	v11 =	vsel vm6, $0x0, v11  }
0x9b: {  	v24 =	vbroadcast v9, $0x4;
	v12 =	vnsel vm1, $0x0, v21;
	v11 =	vadd.s32 v22, v11  }
0x9c: {  	v10 =	vld.idx.msk [tilespmem:v10+s5+$0x0], $0xffff;
	v25 =	vbroadcast v9, $0x5;
	v27 =	vnsel vm2, $0x0, v23;
	v11 =	vadd.s32 v12, v11  }
0x9d: {  	v26 =	vbroadcast v9, $0x6;
	v29 =	vnsel vm3, $0x0, v24;
	v11 =	vadd.s32 v27, v11  }
0x9e: {  	v28 =	vbroadcast v9, $0x7;
	v30 =	vnsel vm4, $0x0, v25;
	v11 =	vadd.s32 v29, v11  }
0x9f: {  	v31 =	vnsel vm5, $0x0, v26;
	v11 =	vadd.s32 v30, v11  }
0xa0: {  	v32 =	vnsel vm7, $0x0, v28;
	v11 =	vadd.s32 v31, v11  }
0xa1: {  	v9 =	vadd.s32 v9, v10;
	v33 =	vadd.s32 v32, v11  }
0xa2: {  	v9 =	vsub.s32 v9, v33  }
0xa3: {  	[tilespmem:$0x100] =	vst v9  }
0xa4: {  	v34 =	vld.idx.msk [tilespmem:v0+s1+$0x0], $0xffff  }
0xa5: {  	v35 =	vld.idx.msk [tilespmem:v1+s1+$0x0], $0xffff  }
0xa6: {  	v36 =	vld.idx.msk [tilespmem:v2+s1+$0x0], $0xffff  }
0xa7: {  	v11 =	vbroadcast v33, $0x4;
	v10 =	vbroadcast v33, $0x6  }
0xa8: {  	v38 =	vbroadcast v33, $0x2;
	v12 =	vbroadcast v33, $0x5  }
0xa9: {  	v19 =	vbroadcast v33, $0x0;
	v20 =	vbroadcast v33, $0x1  }
0xaa: {  	v13 =	vbroadcast v33, $0x3;
	v9 =	vbroadcast v33, $0x7  }
0xab: {  	v14 =	vshll.u32 v34, $0x8;
	v15 =	vshll.u32 v35, $0x8;
	v16 =	vshll.u32 v36, $0x8  }
0xac: {  	v14 =	vor.u32 v3, v14;
	v16 =	vor.u32 v5, v16;
	v15 =	vor.u32 v4, v15  }
0xad: {  	vm8 =	vge.s32 v14, v19;
	vm9 =	vge.s32 v14, v20;
	vm10 =	vge.s32 v14, v11  }
0xae: {  	vm11 =	vge.s32 v14, v10;
	vm12 =	vge.s32 v15, v38;
	vm15 =	vge.s32 v15, v19  }
0xaf: {  	vm13 =	vge.s32 v16, v20;
	v21 =	vsel vm8, $0x1, v7;
	v22 =	vsel vm9, $0x1, v7  }
0xb0: {  	vm8 =	vge.s32 v14, v38;
	vm9 =	vge.s32 v14, v13;
	v24 =	vsel vm11, $0x1, v7  }
0xb1: {  	v25 =	vsel vm10, $0x1, v7;
	v27 =	vsel vm15, $0x1, v7;
	v28 =	vsel vm12, $0x1, v7  }
0xb2: {  	vm10 =	vge.s32 v15, v20;
	vm11 =	vge.s32 v15, v13;
	vm12 =	vge.s32 v15, v11  }
0xb3: {  	v49 =	vsel vm13, $0x1, v7;
	v21 =	vadd.s32 v22, v21;
	v39 =	vsel vm8, $0x1, v7  }
0xb4: {  	vm8 =	vge.s32 v14, v12;
	v23 =	vsel vm9, $0x1, v7;
	vm9 =	vge.s32 v15, v10  }
0xb5: {  	v29 =	vsel vm10, $0x1, v7;
	vm10 =	vge.s32 v16, v19;
	v43 =	vsel vm11, $0x1, v7  }
0xb6: {  	v45 =	vsel vm12, $0x1, v7;
	vm12 =	vge.s32 v16, v38;
	v21 =	vadd.s32 v39, v21  }
0xb7: {  	v40 =	vsel vm8, $0x1, v7;
	vm8 =	vge.s32 v14, v9;
	v41 =	vadd.s32 v29, v27  }
0xb8: {  	v44 =	vsel vm9, $0x1, v7;
	v48 =	vsel vm10, $0x1, v7;
	v50 =	vsel vm12, $0x1, v7  }
0xb9: {  	v26 =	vsel vm8, $0x1, v7;
	vm8 =	vge.s32 v15, v12;
	v21 =	vadd.s32 v23, v21  }
0xba: {  	v23 =	vadd.s32 v28, v41;
	v42 =	vsel vm8, $0x1, v7;
	v21 =	vadd.s32 v25, v21  }
0xbb: {  	v23 =	vadd.s32 v43, v23;
	vm8 =	vge.s32 v15, v9;
	v21 =	vadd.s32 v40, v21  }
0xbc: {  	v46 =	vadd.s32 v45, v23;
	v47 =	vsel vm8, $0x1, v7;
	v23 =	vadd.s32 v49, v48  }
0xbd: {  	vm8 =	vge.s32 v16, v13;
	v21 =	vadd.s32 v24, v21;
	v22 =	vadd.s32 v42, v46  }
0xbe: {  	v37 =	vld.idx.msk [tilespmem:v6+s1+$0x0], $0xffff;
	v23 =	vadd.s32 v50, v23;
	v21 =	vadd.s32 v26, v21;
	v22 =	vadd.s32 v44, v22  }
0xbf: {  	v51 =	vsel vm8, $0x1, v7;
	vm8 =	vge.s32 v16, v11;
	v22 =	vadd.s32 v47, v22  }
0xc0: {  	v23 =	vadd.s32 v51, v23;
	v52 =	vsel vm8, $0x1, v7;
	vm8 =	vge.s32 v16, v12  }
0xc1: {  	v23 =	vadd.s32 v52, v23;
	v53 =	vsel vm8, $0x1, v7;
	vm8 =	vge.s32 v16, v10  }
0xc2: {  	v23 =	vadd.s32 v53, v23;
	v54 =	vsel vm8, $0x1, v7;
	vm8 =	vge.s32 v16, v9  }
0xc3: {  	v17 =	vshll.u32 v37, $0x8;
	v23 =	vadd.s32 v54, v23;
	v55 =	vsel vm8, $0x1, v7;
	v21 =	vld.idx.msk [tilespmem:v21+s6+$0x0], $0xffff  }
0xc4: {  	v17 =	vor.u32 v8, v17;
	v23 =	vadd.s32 v55, v23;
	v22 =	vld.idx.msk [tilespmem:v22+s6+$0x0], $0xffff  }
0xc5: {  	vm14 =	vge.s32 v17, v20;
	vm15 =	vge.s32 v17, v38;
	vm8 =	vge.s32 v17, v19  }
0xc6: {  	v57 =	vsel vm14, $0x1, v7;
	v56 =	vsel vm8, $0x1, v7;
	vm8 =	vge.s32 v17, v13  }
0xc7: {  	v60 =	vsel vm15, $0x1, v7;
	v62 =	vsel vm8, $0x1, v7;
	vm8 =	vge.s32 v17, v11  }
0xc8: {  	v59 =	vadd.s32 v57, v56;
	v63 =	vsel vm8, $0x1, v7;
	v58 =	vadd.s32 v21, v14  }
0xc9: {  	v61 =	vld.idx.msk [tilespmem:v23+s6+$0x0], $0xffff;
	v14 =	vadd.s32 v60, v59;
	v15 =	vadd.s32 v22, v15;
	(v2sf) =	vpush v58, $0x0  }
0xca: {  	vm8 =	vge.s32 v17, v12;
	v11 =	vadd.s32 v62, v14;
	(v2sf) =	vpush v15, $0x0  }
0xcb: {  	v12 =	vsel vm8, $0x1, v7;
	vm8 =	vge.s32 v17, v10;
	v11 =	vadd.s32 v63, v11  }
0xcc: {  	v10 =	vadd.s32 v12, v11;
	v11 =	vsel vm8, $0x1, v7;
	vm8 =	vge.s32 v17, v9  }
0xcd: {  	v9 =	vadd.s32 v11, v10;
	v10 =	vsel vm8, $0x1, v7  }
0xce: {  	v9 =	vadd.s32 v10, v9;
	v10 =	vadd.s32 v61, v16  }
0xcf: {  	(v2sf) =	vpush v10, $0x0;
	_ =	sdelay $0x8  }
0xd0: {  	s29 =	spop (v2sf)  }
0xd1: {  	s21 =	sshll.u32 s29, $0x8;
	s22 =	spop (v2sf)  }
0xd2: {  	s21 =	sadd.s32 s2, s21;
	s22 =	sshll.u32 s22, $0x8  }
0xd3: {  	v9 =	vld.idx.msk [tilespmem:v9+s6+$0x0], $0xffff;
	[tilespmem:s7], [sflag:$0x1] =	stream.linear.gather [hbm4b:s21+s1], $0x8000, $0x38  }
0xd4: {  	s30 =	sadd.s32 s2, s22  }
0xd5: {  	[tilespmem:s13], [sflag:$0x2] =	stream.linear.gather [hbm4b:s30+s1], $0x8000, $0x38;
	[tilespmem:$0x18180] =	vst v63  }
0xd6: {  	s31 =	spop (v2sf)  }
0xd7: {  	p0 =	sne.s32 s20, $0x1;
	s21 =	sshll.u32 s31, $0x8  }
.Ltmp1:
0xd8: {  	v9 =	vadd.s32 v9, v17;
	s21 =	sadd.s32 s2, s21;
	(pc) =	sbr.rel @p0 .LBB2_1-.Ltmp1, $4  }
0xd9: {  	(v2sf) =	vpush v9, $0x0;
	[tilespmem:s15], [sflag:$0x3] =	stream.linear.gather [hbm4b:s21+s1], $0x8000, $0x38;
	[tilespmem:$0x18180] =	vst v63  }
0xda: {  	_ =	swait.ge [sflag:s14], $0x8000  }
0xdb: {  	[sflag:s14] =	ssyncset.done $0x0  }
0xdc: {  	s20 =	sadd.s32 $0xFFFFFFFF, s20;
	[sflag:s14] =	ssyncadd.s32 $0xFFFF8000  }
.LBB2_2:
0xdd: {  	_ =	sdelay $0x8  }
0xde: {  	[hbm4b:s11+s1] =	stream.linear.scatter [tilespmem:s7], [sflag:$0x4], $0x8000, $0x38;
	[tilespmem:$0x18180] =	vst v63  }
0xdf: {  	_ =	swait.ge [sflag:s9], $0x8000  }
0xe0: {  	s3 =	spop (v2sf)  }
0xe1: {  	[sflag:s9] =	ssyncset.done $0x0;
	s3 =	sshll.u32 s3, $0x8  }
0xe2: {  	[sflag:s9] =	ssyncadd.s32 $0xFFFF8000;
	s2 =	sadd.s32 s2, s3  }
0xe3: {  	[tilespmem:s7], [sflag:$0x1] =	stream.linear.gather [hbm4b:s2+s1], $0x8000, $0x38;
	[tilespmem:$0x18180] =	vst v63  }
0xe4: {  	_ =	swait.ge [sflag:s19], $0x8000  }
0xe5: {  	[sflag:s19] =	ssyncset.done $0x0  }
0xe6: {  	[sflag:s19] =	ssyncadd.s32 $0xFFFF8000  }
0xe7: {  	[hbm4b:s8+s1] =	stream.linear.scatter [tilespmem:s13], [sflag:$0x5], $0x8000, $0x38;
	[tilespmem:$0x18180] =	vst v63  }
0xe8: {  	_ =	swait.ge [sflag:s18], $0x8000  }
0xe9: {  	[sflag:s18] =	ssyncset.done $0x0  }
0xea: {  	[sflag:s18] =	ssyncadd.s32 $0xFFFF8000  }
0xeb: {  	[hbm4b:s12+s1] =	stream.linear.scatter [tilespmem:s15], [sflag:$0x6], $0x8000, $0x38;
	[tilespmem:$0x18180] =	vst v63  }
0xec: {  	_ =	swait.ge [sflag:s14], $0x8000  }
0xed: {  	[sflag:s14] =	ssyncset.done $0x0  }
0xee: {  	[sflag:s14] =	ssyncadd.s32 $0xFFFF8000  }
0xef: {  	[hbm4b:s10+s1] =	stream.linear.scatter [tilespmem:s7], [sflag:$0x4], $0x8000, $0x38;
	[tilespmem:$0x18180] =	vst v63  }
0xf0: {  	_ =	swait.ge [sflag:s16], $0x8000  }
0xf1: {  	[sflag:s16] =	ssyncset.done $0x0  }
0xf2: {  	[sflag:s16] =	ssyncadd.s32 $0xFFFF8000  }
0xf3: {  	_ =	swait.ge [sflag:s17], $0x8000  }
0xf4: {  	[sflag:s17] =	ssyncset.done $0x0  }
0xf5: {  	[sflag:s17] =	ssyncadd.s32 $0xFFFF8000  }
0xf6: {  	_ =	swait.ge [sflag:s9], $0x8000  }
0xf7: {  	[sflag:s9] =	ssyncset.done $0x0  }
0xf8: {  	[sflag:s9] =	ssyncadd.s32 $0xFFFF8000  }
0xf9: {  	_ =	sfence.sel $0x180000  }
0xfa: {  	[bflag:$0x0] =	sbarrier.arrive $0xFFFF  }
0xfb: {  	p0 =	sne.s32 s4, $0x0;
	_ =	strace $0x90000047  }
0xfc: {  	s0 =	sadd.s32 @!p0 $0x100000, s0;
	[bflag:$0x2] =	sbarrier.arrive $0xFFFF  }
0xfd: {  	[sflag:s0] =	ssyncadd.tile.s32 @!p0 $0x1;
	_ =	shalt  }
.Lfunc_end2:
_tile_overlayer_lowered:
.L_overlay_start_2:
0xfe: {  	(tag) =	ssettag $0x2  }
0xff: {  	s0 =	rddreg [dreg:$0x0];
	s2 =	stileid.u32  }
0x100: {  	s1 =	rddreg [dreg:$0x1];
	p0 =	sne.s32 s2, $0x0  }
0x101: {  	s3 =	rddreg [dreg:$0x2];
	[bflag:$0x3] =	sbarrier.arrive $0xFFFF;
	s2 =	simm.s32 @!p0 $0x1C07  }
0x102: {  	[timem:s3], [sflag:s2] =	dma.local @!p0 [hbm:s0], s1  }
0x103: {  	s0 =	simm.s32 @!p0 $0x7  }
0x104: {  	_ =	swait.ge @!p0 [sflag:s0], s1  }
0x105: {  	s1 =	ssub.s32 @!p0 $0x0, s1;
	[sflag:s0] =	ssyncset.done @!p0 $0x0  }
0x106: {  	[sflag:s0] =	ssyncadd.s32 @!p0 s1  }
0x107: {  	[bflag:$0x3] =	sbarrier.arrive $0xFFFF  }
0x108: {  	_ =	shalt  }

</sc_bundles>
